<compile_context>
chip_gen: v7x
topology: tpu7x:2x2x1
jax: 0.10.2.dev20260603
libtpu: 0.0.44.dev20260713+nightly
codegen_flags: <defaults>
</compile_context>

<pallas_src>
import functools

import jax
import jax.numpy as jnp
from jax import lax
from jax.experimental import pallas as pl
from jax.experimental.pallas import tpu as pltpu
from jax.experimental.pallas import tpu_sc as plsc

N_CODES = 8192
D_EMB = 32
COMMIT_BETA = 0.25

RB1 = 256
CB1 = 4096
OH_CHUNK = 2048

SC_CORES = 2
SC_SUBCORES = 16
SC_WORKERS = SC_CORES * SC_SUBCORES


def _vq_body(nr, zsq_ref, z_ref, wt_ref, wsq_ref,
             idx_ref, enc_ref, cnt_ref, pidx_ref):
    r = pl.program_id(0)

    @pl.when(r < nr)
    def _():
        zb = z_ref[...].astype(jnp.bfloat16)
        wb2 = wt_ref[...].astype(jnp.bfloat16) * jnp.bfloat16(2.0)
        mm2 = lax.dot_general(
            zb, wb2, (((1,), (0,)), ((), ())),
            preferred_element_type=jnp.float32)
        zs = zsq_ref[...]
        wsq = wsq_ref[...]

        lane = lax.broadcasted_iota(jnp.int32, (RB1, 128), 1)

        def half_argmin(base):
            def strip(s):
                sl = slice(base + s * 128, base + (s + 1) * 128)
                return (zs + wsq[:, sl]) - mm2[:, sl]

            v = strip(0)
            st = jnp.zeros((RB1, 128), jnp.int32)
            for s in range(1, CB1 // 128):
                dv = strip(s)
                take = dv < v
                v = jnp.where(take, dv, v)
                st = jnp.where(take, jnp.int32(s), st)
            m = jnp.min(v, axis=1, keepdims=True)
            cand = jnp.where(v == m, st * 128 + lane, jnp.int32(2 ** 30))
            return m, jnp.min(cand, axis=1, keepdims=True)

        m0, am0 = half_argmin(0)
        m1, am1 = half_argmin(CB1)
        m0q = m0.astype(jnp.bfloat16).astype(jnp.float32)
        idx_ref[...] = jnp.where(m1 < m0q, am1 + CB1, am0).astype(jnp.int32)

    @pl.when(r == 1)
    def _():
        cnt_ref[...] = jnp.zeros_like(cnt_ref)

    @pl.when(r > 0)
    def _():
        pid = pidx_ref[...]
        for k in range(N_CODES // OH_CHUNK):
            sl = slice(k * OH_CHUNK, (k + 1) * OH_CHUNK)
            ccols = (lax.broadcasted_iota(jnp.int32, (RB1, OH_CHUNK), 1)
                     + k * OH_CHUNK)
            oh = (pid == ccols).astype(jnp.float32)
            enc_ref[:, sl] = oh
            cnt_ref[0:1, sl] += jnp.sum(oh, axis=0, keepdims=True)

    @pl.when(r < nr)
    def _():
        pidx_ref[...] = idx_ref[...]


def _vq_call(zsq, zf, wt, wsq):
    n = zf.shape[0]
    nr = n // RB1
    grid = (nr + 1,)
    return pl.pallas_call(
        functools.partial(_vq_body, nr),
        grid=grid,
        in_specs=[
            pl.BlockSpec((RB1, 1), lambda rt: (jnp.minimum(rt, nr - 1), 0)),
            pl.BlockSpec((RB1, D_EMB), lambda rt: (jnp.minimum(rt, nr - 1), 0)),
            pl.BlockSpec((D_EMB, N_CODES), lambda rt: (0, 0)),
            pl.BlockSpec((1, N_CODES), lambda rt: (0, 0)),
        ],
        out_specs=[
            pl.BlockSpec((RB1, 1), lambda rt: (jnp.minimum(rt, nr - 1), 0)),
            pl.BlockSpec((RB1, N_CODES), lambda rt: (jnp.maximum(rt, 1) - 1, 0)),
            pl.BlockSpec((1, N_CODES), lambda rt: (0, 0)),
        ],
        out_shape=[
            jax.ShapeDtypeStruct((n, 1), jnp.int32),
            jax.ShapeDtypeStruct((n, N_CODES), jnp.float32),
            jax.ShapeDtypeStruct((1, N_CODES), jnp.float32),
        ],
        scratch_shapes=[
            pltpu.VMEM((RB1, 1), jnp.int32),
        ],
    )(zsq, zf, wt, wsq)


def _make_gather(n):
    rows_per_w = n // SC_WORKERS
    idx_rows = rows_per_w // 128
    mesh = plsc.VectorSubcoreMesh(core_axis_name="c", subcore_axis_name="s")

    @functools.partial(
        pl.kernel,
        mesh=mesh,
        compiler_params=pltpu.CompilerParams(use_tc_tiling_on_sc=False),
        out_type=jax.ShapeDtypeStruct((n, D_EMB), jnp.float32),
        scratch_types=[
            pltpu.VMEM((idx_rows, 128), jnp.int32),
            pltpu.VMEM((rows_per_w, D_EMB), jnp.float32),
            pltpu.SemaphoreType.DMA,
        ],
    )
    def _gather(w_hbm, idx_hbm, out_hbm, idx_v, rows_v, sem):
        wid = lax.axis_index("s") * SC_CORES + lax.axis_index("c")
        pltpu.sync_copy(idx_hbm.at[pl.ds(wid * idx_rows, idx_rows)], idx_v)
        copies = []
        for j in range(idx_rows):
            copies.append(pltpu.async_copy(
                w_hbm.at[idx_v.at[j]],
                rows_v.at[pl.ds(j * 128, 128)],
                sem))
        for c in copies:
            c.wait()
        pltpu.sync_copy(rows_v, out_hbm.at[pl.ds(wid * rows_per_w, rows_per_w)])

    return _gather


def kernel(z, W):
    batch, seq, d_emb = z.shape
    zf = z.reshape(-1, d_emb)
    n = zf.shape[0]

    zsq = jnp.sum(z ** 2, axis=2).reshape(-1, 1)
    wsq = jnp.sum(W ** 2, axis=1)

    idx2, enc, cnt = _vq_call(zsq, zf, W.T, wsq.reshape(1, -1))

    idx_flat = idx2[:, 0]
    zq_flat = _make_gather(n)(W, idx_flat.reshape(-1, 128))
    z_q = zq_flat.astype(jnp.bfloat16).astype(jnp.float32).reshape(batch, seq, d_emb)

    loss = (jnp.mean((lax.stop_gradient(z_q) - z) ** 2)
            + COMMIT_BETA * jnp.mean((z_q - lax.stop_gradient(z)) ** 2))
    z_q_st = z + lax.stop_gradient(z_q - z)
    e_mean = cnt[0] / jnp.float32(n)
    perplexity = jnp.exp(-jnp.sum(e_mean * jnp.log(e_mean + 1e-10)))
    idx_out = idx_flat.reshape(batch, seq)
    return (loss, z_q_st, perplexity, enc, idx_out)

# --- scband reference (transcript-rebuilt; emitter-appended) ---
"""Pipeline reference for scband-vector-quantizer-85779086835953 (READ-ONLY COPY).

The authoritative reference and input builder live on the scoring server;
editing this copy changes nothing except your own understanding.
"""

import jax, jax.numpy as jnp
import numpy as np

N_E = 8192
E_DIM = 32
BETA = 0.25

def setup_inputs(seed: int = 0) -> dict:
    key = jax.random.key(seed)
    k1, k2 = jax.random.split(key)
    z = jax.random.normal(k1, (8, 1024, E_DIM), dtype=jnp.float32)
    # embedding initialized uniform(-1/n_e, 1/n_e) as in the torch module
    W = jax.random.uniform(k2, (N_E, E_DIM), dtype=jnp.float32, minval=-1.0 / N_E, maxval=1.0 / N_E)
    return {"z": z, "W": W}

def reference(z, W):
    batch_size, L, D = z.shape
    z_flattened = z.reshape(-1, E_DIM)
    d = (jnp.sum(z_flattened ** 2, axis=1, keepdims=True)
         + jnp.sum(W ** 2, axis=1)
         - 2.0 * jnp.matmul(z_flattened, W.T))
    min_encoding_indices = jnp.argmin(d, axis=1)
    min_encodings = jax.nn.one_hot(min_encoding_indices, N_E, dtype=z.dtype)
    z_q = jnp.matmul(min_encodings, W).reshape(batch_size, L, D)
    loss = (jnp.mean((jax.lax.stop_gradient(z_q) - z) ** 2)
            + BETA * jnp.mean((z_q - jax.lax.stop_gradient(z)) ** 2))
    z_q_st = z + jax.lax.stop_gradient(z_q - z)
    e_mean = jnp.mean(min_encodings, axis=0)
    perplexity = jnp.exp(-jnp.sum(e_mean * jnp.log(e_mean + 1e-10)))
    idx_out = min_encoding_indices.reshape(batch_size, L)
    return (loss, z_q_st, perplexity, min_encodings, idx_out)

if __name__ == "__main__":
    import jax
    _d = setup_inputs()
    print(jax.jit(kernel)(*tuple(_d.values())))

</pallas_src>

<mosaic_0001>
#map = affine_map<(d0, d1) -> (0, 0)>
module attributes {stable_mosaic.version = 14 : i64} {
  func.func @_gather(%arg0: i32, %arg1: i32, %arg2: memref<8192x32xf32, #tpu.memory_space<hbm>>, %arg3: memref<64x128xi32, #tpu.memory_space<hbm>>, %arg4: memref<8192x32xf32, #tpu.memory_space<hbm>>, %arg5: memref<2x128xi32, #tpu.memory_space<vmem>>, %arg6: memref<256x32xf32, #tpu.memory_space<vmem>>, %arg7: memref<!tpu.dma_semaphore, #tpu.memory_space<semaphore_mem>>) attributes {dimension_semantics = [#tpu.dimension_semantics<core_parallel>, #tpu.dimension_semantics<subcore_parallel>], iteration_bounds = array<i64: 2, 16>, scalar_prefetch = 0 : i64, scratch_operands = 3 : i64, tpu.core_type = #tpu.core_type<sc_vector_subcore>, window_params = [{transform_indices = #map}, {transform_indices = #map}, {transform_indices = #map}]} {
    %mul3A = arith.constant 2 : i32
    %mul3A_0 = arith.muli %arg1, %mul3A : i32
    %add3A = arith.addi %mul3A_0, %arg0 : i32
    %mul3A_1 = arith.constant 2 : i32
    %mul3A_2 = arith.muli %add3A, %mul3A_1 : i32
    "tpu.region"() ({
      %run_scoped3A = tpu.sem_alloc : memref<!tpu.dma_semaphore, #tpu.memory_space<semaphore_mem>>
      %dma_start3A_43 = arith.constant 0 : i32
      %dma_start3A_44 = tpu.memref_slice %arg3[%mul3A_2, %dma_start3A_43] : memref<64x128xi32, #tpu.memory_space<hbm>> -> memref<2x128xi32, #tpu.memory_space<hbm>>
      %dma_start3A_45 = arith.constant 0 : i32
      %dma_start3A_46 = tpu.memref_slice %arg3[%mul3A_2, %dma_start3A_45] : memref<64x128xi32, #tpu.memory_space<hbm>> -> memref<2x128xi32, #tpu.memory_space<hbm>>
      tpu.enqueue_dma source(%dma_start3A_46 : memref<2x128xi32, #tpu.memory_space<hbm>>) target(%arg5 : memref<2x128xi32, #tpu.memory_space<vmem>>) target_semaphore(%run_scoped3A : memref<!tpu.dma_semaphore, #tpu.memory_space<semaphore_mem>>)
      %dma_wait3A_47 = arith.constant 0 : i32
      %dma_wait3A_48 = tpu.memref_slice %arg3[%mul3A_2, %dma_wait3A_47] : memref<64x128xi32, #tpu.memory_space<hbm>> -> memref<2x128xi32, #tpu.memory_space<hbm>>
      %dma_wait3A_49 = arith.constant 0 : i32
      %dma_wait3A_50 = tpu.memref_slice %arg3[%mul3A_2, %dma_wait3A_49] : memref<64x128xi32, #tpu.memory_space<hbm>> -> memref<2x128xi32, #tpu.memory_space<hbm>>
      tpu.wait_dma2 semaphore(%run_scoped3A : memref<!tpu.dma_semaphore, #tpu.memory_space<semaphore_mem>>) src(%dma_wait3A_50 : memref<2x128xi32, #tpu.memory_space<hbm>>) dst(%arg5 : memref<2x128xi32, #tpu.memory_space<vmem>>)
      tpu.yield
    }) : () -> ()
    %dma_start3A = arith.constant 0 : i32
    %dma_start3A_3 = arith.constant 0 : i32
    %dma_start3A_4 = arith.constant 0 : i32
    %dma_start3A_5 = tpu.memref_slice %arg6[%dma_start3A_3, %dma_start3A_4] : memref<256x32xf32, #tpu.memory_space<vmem>> -> memref<128x32xf32, #tpu.memory_space<vmem>>
    %dma_start3A_6 = arith.constant 0 : i32
    %dma_start3A_7 = tpu.memref_slice %arg5[%dma_start3A, %dma_start3A_6] : memref<2x128xi32, #tpu.memory_space<vmem>> -> memref<1x128xi32, #tpu.memory_space<vmem>>
    %dma_start3A_8 = tpu.memref_squeeze %dma_start3A_7 : memref<1x128xi32, #tpu.memory_space<vmem>> -> memref<128xi32, #tpu.memory_space<vmem>>
    %dma_start3A_9 = arith.constant 0 : i32
    %dma_start3A_10 = arith.constant 0 : i32
    %dma_start3A_11 = tpu.memref_slice %arg2[%dma_start3A_9, %dma_start3A_10] : memref<8192x32xf32, #tpu.memory_space<hbm>> -> memref<8192x32xf32, #tpu.memory_space<hbm>>
    tpu.enqueue_indirect_dma source(%dma_start3A_11 : memref<8192x32xf32, #tpu.memory_space<hbm>>) target(%dma_start3A_5 : memref<128x32xf32, #tpu.memory_space<vmem>>) offsets(%dma_start3A_8 : memref<128xi32, #tpu.memory_space<vmem>>) semaphore(%arg7 : memref<!tpu.dma_semaphore, #tpu.memory_space<semaphore_mem>>)
    %dma_start3A_12 = arith.constant 1 : i32
    %dma_start3A_13 = arith.constant 128 : i32
    %dma_start3A_14 = arith.constant 0 : i32
    %dma_start3A_15 = tpu.memref_slice %arg6[%dma_start3A_13, %dma_start3A_14] : memref<256x32xf32, #tpu.memory_space<vmem>> -> memref<128x32xf32, #tpu.memory_space<vmem>>
    %dma_start3A_16 = arith.constant 0 : i32
    %dma_start3A_17 = tpu.memref_slice %arg5[%dma_start3A_12, %dma_start3A_16] : memref<2x128xi32, #tpu.memory_space<vmem>> -> memref<1x128xi32, #tpu.memory_space<vmem>>
    %dma_start3A_18 = tpu.memref_squeeze %dma_start3A_17 : memref<1x128xi32, #tpu.memory_space<vmem>> -> memref<128xi32, #tpu.memory_space<vmem>>
    %dma_start3A_19 = arith.constant 0 : i32
    %dma_start3A_20 = arith.constant 0 : i32
    %dma_start3A_21 = tpu.memref_slice %arg2[%dma_start3A_19, %dma_start3A_20] : memref<8192x32xf32, #tpu.memory_space<hbm>> -> memref<8192x32xf32, #tpu.memory_space<hbm>>
    tpu.enqueue_indirect_dma source(%dma_start3A_21 : memref<8192x32xf32, #tpu.memory_space<hbm>>) target(%dma_start3A_15 : memref<128x32xf32, #tpu.memory_space<vmem>>) offsets(%dma_start3A_18 : memref<128xi32, #tpu.memory_space<vmem>>) semaphore(%arg7 : memref<!tpu.dma_semaphore, #tpu.memory_space<semaphore_mem>>)
    %dma_wait3A = arith.constant 0 : i32
    %dma_wait3A_22 = arith.constant 0 : i32
    %dma_wait3A_23 = arith.constant 0 : i32
    %dma_wait3A_24 = tpu.memref_slice %arg6[%dma_wait3A_22, %dma_wait3A_23] : memref<256x32xf32, #tpu.memory_space<vmem>> -> memref<128x32xf32, #tpu.memory_space<vmem>>
    %dma_wait3A_25 = arith.constant 0 : i32
    %dma_wait3A_26 = tpu.memref_slice %arg5[%dma_wait3A, %dma_wait3A_25] : memref<2x128xi32, #tpu.memory_space<vmem>> -> memref<1x128xi32, #tpu.memory_space<vmem>>
    %dma_wait3A_27 = tpu.memref_squeeze %dma_wait3A_26 : memref<1x128xi32, #tpu.memory_space<vmem>> -> memref<128xi32, #tpu.memory_space<vmem>>
    %dma_wait3A_28 = arith.constant 0 : i32
    %dma_wait3A_29 = arith.constant 0 : i32
    %dma_wait3A_30 = tpu.memref_slice %arg2[%dma_wait3A_28, %dma_wait3A_29] : memref<8192x32xf32, #tpu.memory_space<hbm>> -> memref<8192x32xf32, #tpu.memory_space<hbm>>
    tpu.wait_indirect_dma semaphore(%arg7 : memref<!tpu.dma_semaphore, #tpu.memory_space<semaphore_mem>>) src(%dma_wait3A_30 : memref<8192x32xf32, #tpu.memory_space<hbm>>) dst(%dma_wait3A_24 : memref<128x32xf32, #tpu.memory_space<vmem>>)
    %dma_wait3A_31 = arith.constant 1 : i32
    %dma_wait3A_32 = arith.constant 128 : i32
    %dma_wait3A_33 = arith.constant 0 : i32
    %dma_wait3A_34 = tpu.memref_slice %arg6[%dma_wait3A_32, %dma_wait3A_33] : memref<256x32xf32, #tpu.memory_space<vmem>> -> memref<128x32xf32, #tpu.memory_space<vmem>>
    %dma_wait3A_35 = arith.constant 0 : i32
    %dma_wait3A_36 = tpu.memref_slice %arg5[%dma_wait3A_31, %dma_wait3A_35] : memref<2x128xi32, #tpu.memory_space<vmem>> -> memref<1x128xi32, #tpu.memory_space<vmem>>
    %dma_wait3A_37 = tpu.memref_squeeze %dma_wait3A_36 : memref<1x128xi32, #tpu.memory_space<vmem>> -> memref<128xi32, #tpu.memory_space<vmem>>
    %dma_wait3A_38 = arith.constant 0 : i32
    %dma_wait3A_39 = arith.constant 0 : i32
    %dma_wait3A_40 = tpu.memref_slice %arg2[%dma_wait3A_38, %dma_wait3A_39] : memref<8192x32xf32, #tpu.memory_space<hbm>> -> memref<8192x32xf32, #tpu.memory_space<hbm>>
    tpu.wait_indirect_dma semaphore(%arg7 : memref<!tpu.dma_semaphore, #tpu.memory_space<semaphore_mem>>) src(%dma_wait3A_40 : memref<8192x32xf32, #tpu.memory_space<hbm>>) dst(%dma_wait3A_34 : memref<128x32xf32, #tpu.memory_space<vmem>>)
    %mul3A_41 = arith.constant 256 : i32
    %mul3A_42 = arith.muli %add3A, %mul3A_41 : i32
    "tpu.region"() ({
      %run_scoped3A = tpu.sem_alloc : memref<!tpu.dma_semaphore, #tpu.memory_space<semaphore_mem>>
      %dma_start3A_43 = arith.constant 0 : i32
      %dma_start3A_44 = tpu.memref_slice %arg4[%mul3A_42, %dma_start3A_43] : memref<8192x32xf32, #tpu.memory_space<hbm>> -> memref<256x32xf32, #tpu.memory_space<hbm>>
      %dma_start3A_45 = arith.constant 0 : i32
      %dma_start3A_46 = tpu.memref_slice %arg4[%mul3A_42, %dma_start3A_45] : memref<8192x32xf32, #tpu.memory_space<hbm>> -> memref<256x32xf32, #tpu.memory_space<hbm>>
      tpu.enqueue_dma source(%arg6 : memref<256x32xf32, #tpu.memory_space<vmem>>) target(%dma_start3A_46 : memref<256x32xf32, #tpu.memory_space<hbm>>) target_semaphore(%run_scoped3A : memref<!tpu.dma_semaphore, #tpu.memory_space<semaphore_mem>>)
      %dma_wait3A_47 = arith.constant 0 : i32
      %dma_wait3A_48 = tpu.memref_slice %arg4[%mul3A_42, %dma_wait3A_47] : memref<8192x32xf32, #tpu.memory_space<hbm>> -> memref<256x32xf32, #tpu.memory_space<hbm>>
      %dma_wait3A_49 = arith.constant 0 : i32
      %dma_wait3A_50 = tpu.memref_slice %arg4[%mul3A_42, %dma_wait3A_49] : memref<8192x32xf32, #tpu.memory_space<hbm>> -> memref<256x32xf32, #tpu.memory_space<hbm>>
      tpu.wait_dma2 semaphore(%run_scoped3A : memref<!tpu.dma_semaphore, #tpu.memory_space<semaphore_mem>>) src(%arg6 : memref<256x32xf32, #tpu.memory_space<vmem>>) dst(%dma_wait3A_50 : memref<256x32xf32, #tpu.memory_space<hbm>>)
      tpu.yield
    }) : () -> ()
    return
  }
}

module attributes {stable_mosaic.version = 14 : i64} {
  func.func @_vq_body(%arg0: i32, %arg1: memref<256x1xf32, #tpu.memory_space<vmem>>, %arg2: memref<256x32xf32, #tpu.memory_space<vmem>>, %arg3: memref<32x8192xf32, #tpu.memory_space<vmem>>, %arg4: memref<1x8192xf32, #tpu.memory_space<vmem>>, %arg5: memref<256x1xi32, #tpu.memory_space<vmem>>, %arg6: memref<256x8192xf32, #tpu.memory_space<vmem>>, %arg7: memref<1x8192xf32, #tpu.memory_space<vmem>>, %arg8: memref<256x1xi32, #tpu.memory_space<vmem>>) attributes {dimension_semantics = [#tpu.dimension_semantics<arbitrary>], iteration_bounds = array<i64: 33>, scalar_prefetch = 0 : i64, scratch_operands = 1 : i64, tpu.core_type = #tpu.core_type<tc>, window_params = [{transform_indices = @transform_0, window_bounds = array<i64: 256, 1>}, {transform_indices = @transform_1, window_bounds = array<i64: 256, 32>}, {pipeline_mode = #tpu.pipeline_mode<synchronous>, transform_indices = @transform_2, window_bounds = array<i64: 32, 8192>}, {pipeline_mode = #tpu.pipeline_mode<synchronous>, transform_indices = @transform_3, window_bounds = array<i64: 1, 8192>}, {transform_indices = @transform_4, window_bounds = array<i64: 256, 1>}, {transform_indices = @transform_5, window_bounds = array<i64: 256, 8192>}, {pipeline_mode = #tpu.pipeline_mode<synchronous>, transform_indices = @transform_6, window_bounds = array<i64: 1, 8192>}]} {
    %lt3A = arith.constant 32 : i32
    %lt3A_0 = arith.cmpi slt, %arg0, %lt3A : i32
    %convert_element_type3A = arith.extui %lt3A_0 : i1 to i32
    %cond3A = arith.constant 0 : i32
    %cond3A_1 = arith.cmpi ne, %convert_element_type3A, %cond3A : i32
    scf.if %cond3A_1 {
      %get3A = arith.constant 0 : index
      %get3A_15 = arith.constant 0 : index
      %get3A_16 = vector.load %arg2[%get3A, %get3A_15] : memref<256x32xf32, #tpu.memory_space<vmem>>, vector<256x32xf32>
      %convert_element_type3A_17 = arith.truncf %get3A_16 : vector<256x32xf32> to vector<256x32xbf16>
      %get3A_18 = arith.constant 0 : index
      %get3A_19 = arith.constant 0 : index
      %get3A_20 = vector.load %arg3[%get3A_18, %get3A_19] : memref<32x8192xf32, #tpu.memory_space<vmem>>, vector<32x8192xf32>
      %convert_element_type3A_21 = arith.truncf %get3A_20 : vector<32x8192xf32> to vector<32x8192xbf16>
      %mul3A = arith.constant 2.000000e+00 : bf16
      %mul3A_22 = vector.broadcast %mul3A : bf16 to vector<32x8192xbf16>
      %mul3A_23 = arith.mulf %convert_element_type3A_21, %mul3A_22 : vector<32x8192xbf16>
      %dot_general3A = arith.constant dense<0.000000e+00> : vector<256x8192xf32>
      %dot_general3A_24 = tpu.matmul %convert_element_type3A_17, %mul3A_23, %dot_general3A {dimension_numbers = #tpu.dot_dimension_numbers<[1], [0], [0], [1], [0, 0, 1, 1], [], []>, transpose_lhs_hint = false} : vector<256x32xbf16>, vector<32x8192xbf16>, vector<256x8192xf32> -> vector<256x8192xf32>
      %get3A_25 = arith.constant 0 : index
      %get3A_26 = arith.constant 0 : index
      %get3A_27 = vector.load %arg1[%get3A_25, %get3A_26] : memref<256x1xf32, #tpu.memory_space<vmem>>, vector<256x1xf32>
      %get3A_28 = arith.constant 0 : index
      %get3A_29 = arith.constant 0 : index
      %get3A_30 = vector.load %arg4[%get3A_28, %get3A_29] : memref<1x8192xf32, #tpu.memory_space<vmem>>, vector<1x8192xf32>
      %iota3A = tpu.iota {dimensions = array<i32: 1>} : vector<256x128xi32>
      %slice3A = vector.extract_strided_slice %get3A_30 {offsets = [0, 0], sizes = [1, 128], strides = [1, 1]} : vector<1x8192xf32> to vector<1x128xf32>
      %add3A = vector.broadcast %get3A_27 : vector<256x1xf32> to vector<256x128xf32>
      %add3A_31 = vector.broadcast %slice3A : vector<1x128xf32> to vector<256x128xf32>
      %add3A_32 = arith.addf %add3A, %add3A_31 : vector<256x128xf32>
      %slice3A_33 = vector.extract_strided_slice %dot_general3A_24 {offsets = [0, 0], sizes = [256, 128], strides = [1, 1]} : vector<256x8192xf32> to vector<256x128xf32>
      %sub3A = arith.subf %add3A_32, %slice3A_33 : vector<256x128xf32>
      %broadcast_in_dim3A = arith.constant 0 : i32
      %broadcast_in_dim3A_34 = vector.broadcast %broadcast_in_dim3A : i32 to vector<256x128xi32>
      %slice3A_35 = vector.extract_strided_slice %get3A_30 {offsets = [0, 128], sizes = [1, 128], strides = [1, 1]} : vector<1x8192xf32> to vector<1x128xf32>
      %add3A_36 = vector.broadcast %get3A_27 : vector<256x1xf32> to vector<256x128xf32>
      %add3A_37 = vector.broadcast %slice3A_35 : vector<1x128xf32> to vector<256x128xf32>
      %add3A_38 = arith.addf %add3A_36, %add3A_37 : vector<256x128xf32>
      %slice3A_39 = vector.extract_strided_slice %dot_general3A_24 {offsets = [0, 128], sizes = [256, 128], strides = [1, 1]} : vector<256x8192xf32> to vector<256x128xf32>
      %sub3A_40 = arith.subf %add3A_38, %slice3A_39 : vector<256x128xf32>
      %lt3A_41 = arith.cmpf olt, %sub3A_40, %sub3A : vector<256x128xf32>
      %select_n3A = arith.select %lt3A_41, %sub3A_40, %sub3A : vector<256x128xi1>, vector<256x128xf32>
      %jit3A = arith.constant 1 : i32
      %broadcast_in_dim3A_42 = vector.broadcast %jit3A : i32 to vector<256x128xi32>
      %select_n3A_43 = arith.select %lt3A_41, %broadcast_in_dim3A_42, %broadcast_in_dim3A_34 : vector<256x128xi1>, vector<256x128xi32>
      %slice3A_44 = vector.extract_strided_slice %get3A_30 {offsets = [0, 256], sizes = [1, 128], strides = [1, 1]} : vector<1x8192xf32> to vector<1x128xf32>
      %add3A_45 = vector.broadcast %get3A_27 : vector<256x1xf32> to vector<256x128xf32>
      %add3A_46 = vector.broadcast %slice3A_44 : vector<1x128xf32> to vector<256x128xf32>
      %add3A_47 = arith.addf %add3A_45, %add3A_46 : vector<256x128xf32>
      %slice3A_48 = vector.extract_strided_slice %dot_general3A_24 {offsets = [0, 256], sizes = [256, 128], strides = [1, 1]} : vector<256x8192xf32> to vector<256x128xf32>
      %sub3A_49 = arith.subf %add3A_47, %slice3A_48 : vector<256x128xf32>
      %lt3A_50 = arith.cmpf olt, %sub3A_49, %select_n3A : vector<256x128xf32>
      %select_n3A_51 = arith.select %lt3A_50, %sub3A_49, %select_n3A : vector<256x128xi1>, vector<256x128xf32>
      %jit3A_52 = arith.constant 2 : i32
      %broadcast_in_dim3A_53 = vector.broadcast %jit3A_52 : i32 to vector<256x128xi32>
      %select_n3A_54 = arith.select %lt3A_50, %broadcast_in_dim3A_53, %select_n3A_43 : vector<256x128xi1>, vector<256x128xi32>
      %slice3A_55 = vector.extract_strided_slice %get3A_30 {offsets = [0, 384], sizes = [1, 128], strides = [1, 1]} : vector<1x8192xf32> to vector<1x128xf32>
      %add3A_56 = vector.broadcast %get3A_27 : vector<256x1xf32> to vector<256x128xf32>
      %add3A_57 = vector.broadcast %slice3A_55 : vector<1x128xf32> to vector<256x128xf32>
      %add3A_58 = arith.addf %add3A_56, %add3A_57 : vector<256x128xf32>
      %slice3A_59 = vector.extract_strided_slice %dot_general3A_24 {offsets = [0, 384], sizes = [256, 128], strides = [1, 1]} : vector<256x8192xf32> to vector<256x128xf32>
      %sub3A_60 = arith.subf %add3A_58, %slice3A_59 : vector<256x128xf32>
      %lt3A_61 = arith.cmpf olt, %sub3A_60, %select_n3A_51 : vector<256x128xf32>
      %select_n3A_62 = arith.select %lt3A_61, %sub3A_60, %select_n3A_51 : vector<256x128xi1>, vector<256x128xf32>
      %jit3A_63 = arith.constant 3 : i32
      %broadcast_in_dim3A_64 = vector.broadcast %jit3A_63 : i32 to vector<256x128xi32>
      %select_n3A_65 = arith.select %lt3A_61, %broadcast_in_dim3A_64, %select_n3A_54 : vector<256x128xi1>, vector<256x128xi32>
      %slice3A_66 = vector.extract_strided_slice %get3A_30 {offsets = [0, 512], sizes = [1, 128], strides = [1, 1]} : vector<1x8192xf32> to vector<1x128xf32>
      %add3A_67 = vector.broadcast %get3A_27 : vector<256x1xf32> to vector<256x128xf32>
      %add3A_68 = vector.broadcast %slice3A_66 : vector<1x128xf32> to vector<256x128xf32>
      %add3A_69 = arith.addf %add3A_67, %add3A_68 : vector<256x128xf32>
      %slice3A_70 = vector.extract_strided_slice %dot_general3A_24 {offsets = [0, 512], sizes = [256, 128], strides = [1, 1]} : vector<256x8192xf32> to vector<256x128xf32>
      %sub3A_71 = arith.subf %add3A_69, %slice3A_70 : vector<256x128xf32>
      %lt3A_72 = arith.cmpf olt, %sub3A_71, %select_n3A_62 : vector<256x128xf32>
      %select_n3A_73 = arith.select %lt3A_72, %sub3A_71, %select_n3A_62 : vector<256x128xi1>, vector<256x128xf32>
      %jit3A_74 = arith.constant 4 : i32
      %broadcast_in_dim3A_75 = vector.broadcast %jit3A_74 : i32 to vector<256x128xi32>
      %select_n3A_76 = arith.select %lt3A_72, %broadcast_in_dim3A_75, %select_n3A_65 : vector<256x128xi1>, vector<256x128xi32>
      %slice3A_77 = vector.extract_strided_slice %get3A_30 {offsets = [0, 640], sizes = [1, 128], strides = [1, 1]} : vector<1x8192xf32> to vector<1x128xf32>
      %add3A_78 = vector.broadcast %get3A_27 : vector<256x1xf32> to vector<256x128xf32>
      %add3A_79 = vector.broadcast %slice3A_77 : vector<1x128xf32> to vector<256x128xf32>
      %add3A_80 = arith.addf %add3A_78, %add3A_79 : vector<256x128xf32>
      %slice3A_81 = vector.extract_strided_slice %dot_general3A_24 {offsets = [0, 640], sizes = [256, 128], strides = [1, 1]} : vector<256x8192xf32> to vector<256x128xf32>
      %sub3A_82 = arith.subf %add3A_80, %slice3A_81 : vector<256x128xf32>
      %lt3A_83 = arith.cmpf olt, %sub3A_82, %select_n3A_73 : vector<256x128xf32>
      %select_n3A_84 = arith.select %lt3A_83, %sub3A_82, %select_n3A_73 : vector<256x128xi1>, vector<256x128xf32>
      %jit3A_85 = arith.constant 5 : i32
      %broadcast_in_dim3A_86 = vector.broadcast %jit3A_85 : i32 to vector<256x128xi32>
      %select_n3A_87 = arith.select %lt3A_83, %broadcast_in_dim3A_86, %select_n3A_76 : vector<256x128xi1>, vector<256x128xi32>
      %slice3A_88 = vector.extract_strided_slice %get3A_30 {offsets = [0, 768], sizes = [1, 128], strides = [1, 1]} : vector<1x8192xf32> to vector<1x128xf32>
      %add3A_89 = vector.broadcast %get3A_27 : vector<256x1xf32> to vector<256x128xf32>
      %add3A_90 = vector.broadcast %slice3A_88 : vector<1x128xf32> to vector<256x128xf32>
      %add3A_91 = arith.addf %add3A_89, %add3A_90 : vector<256x128xf32>
      %slice3A_92 = vector.extract_strided_slice %dot_general3A_24 {offsets = [0, 768], sizes = [256, 128], strides = [1, 1]} : vector<256x8192xf32> to vector<256x128xf32>
      %sub3A_93 = arith.subf %add3A_91, %slice3A_92 : vector<256x128xf32>
      %lt3A_94 = arith.cmpf olt, %sub3A_93, %select_n3A_84 : vector<256x128xf32>
      %select_n3A_95 = arith.select %lt3A_94, %sub3A_93, %select_n3A_84 : vector<256x128xi1>, vector<256x128xf32>
      %jit3A_96 = arith.constant 6 : i32
      %broadcast_in_dim3A_97 = vector.broadcast %jit3A_96 : i32 to vector<256x128xi32>
      %select_n3A_98 = arith.select %lt3A_94, %broadcast_in_dim3A_97, %select_n3A_87 : vector<256x128xi1>, vector<256x128xi32>
      %slice3A_99 = vector.extract_strided_slice %get3A_30 {offsets = [0, 896], sizes = [1, 128], strides = [1, 1]} : vector<1x8192xf32> to vector<1x128xf32>
      %add3A_100 = vector.broadcast %get3A_27 : vector<256x1xf32> to vector<256x128xf32>
      %add3A_101 = vector.broadcast %slice3A_99 : vector<1x128xf32> to vector<256x128xf32>
      %add3A_102 = arith.addf %add3A_100, %add3A_101 : vector<256x128xf32>
      %slice3A_103 = vector.extract_strided_slice %dot_general3A_24 {offsets = [0, 896], sizes = [256, 128], strides = [1, 1]} : vector<256x8192xf32> to vector<256x128xf32>
      %sub3A_104 = arith.subf %add3A_102, %slice3A_103 : vector<256x128xf32>
      %lt3A_105 = arith.cmpf olt, %sub3A_104, %select_n3A_95 : vector<256x128xf32>
      %select_n3A_106 = arith.select %lt3A_105, %sub3A_104, %select_n3A_95 : vector<256x128xi1>, vector<256x128xf32>
      %jit3A_107 = arith.constant 7 : i32
      %broadcast_in_dim3A_108 = vector.broadcast %jit3A_107 : i32 to vector<256x128xi32>
      %select_n3A_109 = arith.select %lt3A_105, %broadcast_in_dim3A_108, %select_n3A_98 : vector<256x128xi1>, vector<256x128xi32>
      %slice3A_110 = vector.extract_strided_slice %get3A_30 {offsets = [0, 1024], sizes = [1, 128], strides = [1, 1]} : vector<1x8192xf32> to vector<1x128xf32>
      %add3A_111 = vector.broadcast %get3A_27 : vector<256x1xf32> to vector<256x128xf32>
      %add3A_112 = vector.broadcast %slice3A_110 : vector<1x128xf32> to vector<256x128xf32>
      %add3A_113 = arith.addf %add3A_111, %add3A_112 : vector<256x128xf32>
      %slice3A_114 = vector.extract_strided_slice %dot_general3A_24 {offsets = [0, 1024], sizes = [256, 128], strides = [1, 1]} : vector<256x8192xf32> to vector<256x128xf32>
      %sub3A_115 = arith.subf %add3A_113, %slice3A_114 : vector<256x128xf32>
      %lt3A_116 = arith.cmpf olt, %sub3A_115, %select_n3A_106 : vector<256x128xf32>
      %select_n3A_117 = arith.select %lt3A_116, %sub3A_115, %select_n3A_106 : vector<256x128xi1>, vector<256x128xf32>
      %jit3A_118 = arith.constant 8 : i32
      %broadcast_in_dim3A_119 = vector.broadcast %jit3A_118 : i32 to vector<256x128xi32>
      %select_n3A_120 = arith.select %lt3A_116, %broadcast_in_dim3A_119, %select_n3A_109 : vector<256x128xi1>, vector<256x128xi32>
      %slice3A_121 = vector.extract_strided_slice %get3A_30 {offsets = [0, 1152], sizes = [1, 128], strides = [1, 1]} : vector<1x8192xf32> to vector<1x128xf32>
      %add3A_122 = vector.broadcast %get3A_27 : vector<256x1xf32> to vector<256x128xf32>
      %add3A_123 = vector.broadcast %slice3A_121 : vector<1x128xf32> to vector<256x128xf32>
      %add3A_124 = arith.addf %add3A_122, %add3A_123 : vector<256x128xf32>
      %slice3A_125 = vector.extract_strided_slice %dot_general3A_24 {offsets = [0, 1152], sizes = [256, 128], strides = [1, 1]} : vector<256x8192xf32> to vector<256x128xf32>
      %sub3A_126 = arith.subf %add3A_124, %slice3A_125 : vector<256x128xf32>
      %lt3A_127 = arith.cmpf olt, %sub3A_126, %select_n3A_117 : vector<256x128xf32>
      %select_n3A_128 = arith.select %lt3A_127, %sub3A_126, %select_n3A_117 : vector<256x128xi1>, vector<256x128xf32>
      %jit3A_129 = arith.constant 9 : i32
      %broadcast_in_dim3A_130 = vector.broadcast %jit3A_129 : i32 to vector<256x128xi32>
      %select_n3A_131 = arith.select %lt3A_127, %broadcast_in_dim3A_130, %select_n3A_120 : vector<256x128xi1>, vector<256x128xi32>
      %slice3A_132 = vector.extract_strided_slice %get3A_30 {offsets = [0, 1280], sizes = [1, 128], strides = [1, 1]} : vector<1x8192xf32> to vector<1x128xf32>
      %add3A_133 = vector.broadcast %get3A_27 : vector<256x1xf32> to vector<256x128xf32>
      %add3A_134 = vector.broadcast %slice3A_132 : vector<1x128xf32> to vector<256x128xf32>
      %add3A_135 = arith.addf %add3A_133, %add3A_134 : vector<256x128xf32>
      %slice3A_136 = vector.extract_strided_slice %dot_general3A_24 {offsets = [0, 1280], sizes = [256, 128], strides = [1, 1]} : vector<256x8192xf32> to vector<256x128xf32>
      %sub3A_137 = arith.subf %add3A_135, %slice3A_136 : vector<256x128xf32>
      %lt3A_138 = arith.cmpf olt, %sub3A_137, %select_n3A_128 : vector<256x128xf32>
      %select_n3A_139 = arith.select %lt3A_138, %sub3A_137, %select_n3A_128 : vector<256x128xi1>, vector<256x128xf32>
      %jit3A_140 = arith.constant 10 : i32
      %broadcast_in_dim3A_141 = vector.broadcast %jit3A_140 : i32 to vector<256x128xi32>
      %select_n3A_142 = arith.select %lt3A_138, %broadcast_in_dim3A_141, %select_n3A_131 : vector<256x128xi1>, vector<256x128xi32>
      %slice3A_143 = vector.extract_strided_slice %get3A_30 {offsets = [0, 1408], sizes = [1, 128], strides = [1, 1]} : vector<1x8192xf32> to vector<1x128xf32>
      %add3A_144 = vector.broadcast %get3A_27 : vector<256x1xf32> to vector<256x128xf32>
      %add3A_145 = vector.broadcast %slice3A_143 : vector<1x128xf32> to vector<256x128xf32>
      %add3A_146 = arith.addf %add3A_144, %add3A_145 : vector<256x128xf32>
      %slice3A_147 = vector.extract_strided_slice %dot_general3A_24 {offsets = [0, 1408], sizes = [256, 128], strides = [1, 1]} : vector<256x8192xf32> to vector<256x128xf32>
      %sub3A_148 = arith.subf %add3A_146, %slice3A_147 : vector<256x128xf32>
      %lt3A_149 = arith.cmpf olt, %sub3A_148, %select_n3A_139 : vector<256x128xf32>
      %select_n3A_150 = arith.select %lt3A_149, %sub3A_148, %select_n3A_139 : vector<256x128xi1>, vector<256x128xf32>
      %jit3A_151 = arith.constant 11 : i32
      %broadcast_in_dim3A_152 = vector.broadcast %jit3A_151 : i32 to vector<256x128xi32>
      %select_n3A_153 = arith.select %lt3A_149, %broadcast_in_dim3A_152, %select_n3A_142 : vector<256x128xi1>, vector<256x128xi32>
      %slice3A_154 = vector.extract_strided_slice %get3A_30 {offsets = [0, 1536], sizes = [1, 128], strides = [1, 1]} : vector<1x8192xf32> to vector<1x128xf32>
      %add3A_155 = vector.broadcast %get3A_27 : vector<256x1xf32> to vector<256x128xf32>
      %add3A_156 = vector.broadcast %slice3A_154 : vector<1x128xf32> to vector<256x128xf32>
      %add3A_157 = arith.addf %add3A_155, %add3A_156 : vector<256x128xf32>
      %slice3A_158 = vector.extract_strided_slice %dot_general3A_24 {offsets = [0, 1536], sizes = [256, 128], strides = [1, 1]} : vector<256x8192xf32> to vector<256x128xf32>
      %sub3A_159 = arith.subf %add3A_157, %slice3A_158 : vector<256x128xf32>
      %lt3A_160 = arith.cmpf olt, %sub3A_159, %select_n3A_150 : vector<256x128xf32>
      %select_n3A_161 = arith.select %lt3A_160, %sub3A_159, %select_n3A_150 : vector<256x128xi1>, vector<256x128xf32>
      %jit3A_162 = arith.constant 12 : i32
      %broadcast_in_dim3A_163 = vector.broadcast %jit3A_162 : i32 to vector<256x128xi32>
      %select_n3A_164 = arith.select %lt3A_160, %broadcast_in_dim3A_163, %select_n3A_153 : vector<256x128xi1>, vector<256x128xi32>
      %slice3A_165 = vector.extract_strided_slice %get3A_30 {offsets = [0, 1664], sizes = [1, 128], strides = [1, 1]} : vector<1x8192xf32> to vector<1x128xf32>
      %add3A_166 = vector.broadcast %get3A_27 : vector<256x1xf32> to vector<256x128xf32>
      %add3A_167 = vector.broadcast %slice3A_165 : vector<1x128xf32> to vector<256x128xf32>
      %add3A_168 = arith.addf %add3A_166, %add3A_167 : vector<256x128xf32>
      %slice3A_169 = vector.extract_strided_slice %dot_general3A_24 {offsets = [0, 1664], sizes = [256, 128], strides = [1, 1]} : vector<256x8192xf32> to vector<256x128xf32>
      %sub3A_170 = arith.subf %add3A_168, %slice3A_169 : vector<256x128xf32>
      %lt3A_171 = arith.cmpf olt, %sub3A_170, %select_n3A_161 : vector<256x128xf32>
      %select_n3A_172 = arith.select %lt3A_171, %sub3A_170, %select_n3A_161 : vector<256x128xi1>, vector<256x128xf32>
      %jit3A_173 = arith.constant 13 : i32
      %broadcast_in_dim3A_174 = vector.broadcast %jit3A_173 : i32 to vector<256x128xi32>
      %select_n3A_175 = arith.select %lt3A_171, %broadcast_in_dim3A_174, %select_n3A_164 : vector<256x128xi1>, vector<256x128xi32>
      %slice3A_176 = vector.extract_strided_slice %get3A_30 {offsets = [0, 1792], sizes = [1, 128], strides = [1, 1]} : vector<1x8192xf32> to vector<1x128xf32>
      %add3A_177 = vector.broadcast %get3A_27 : vector<256x1xf32> to vector<256x128xf32>
      %add3A_178 = vector.broadcast %slice3A_176 : vector<1x128xf32> to vector<256x128xf32>
      %add3A_179 = arith.addf %add3A_177, %add3A_178 : vector<256x128xf32>
      %slice3A_180 = vector.extract_strided_slice %dot_general3A_24 {offsets = [0, 1792], sizes = [256, 128], strides = [1, 1]} : vector<256x8192xf32> to vector<256x128xf32>
      %sub3A_181 = arith.subf %add3A_179, %slice3A_180 : vector<256x128xf32>
      %lt3A_182 = arith.cmpf olt, %sub3A_181, %select_n3A_172 : vector<256x128xf32>
      %select_n3A_183 = arith.select %lt3A_182, %sub3A_181, %select_n3A_172 : vector<256x128xi1>, vector<256x128xf32>
      %jit3A_184 = arith.constant 14 : i32
      %broadcast_in_dim3A_185 = vector.broadcast %jit3A_184 : i32 to vector<256x128xi32>
      %select_n3A_186 = arith.select %lt3A_182, %broadcast_in_dim3A_185, %select_n3A_175 : vector<256x128xi1>, vector<256x128xi32>
      %slice3A_187 = vector.extract_strided_slice %get3A_30 {offsets = [0, 1920], sizes = [1, 128], strides = [1, 1]} : vector<1x8192xf32> to vector<1x128xf32>
      %add3A_188 = vector.broadcast %get3A_27 : vector<256x1xf32> to vector<256x128xf32>
      %add3A_189 = vector.broadcast %slice3A_187 : vector<1x128xf32> to vector<256x128xf32>
      %add3A_190 = arith.addf %add3A_188, %add3A_189 : vector<256x128xf32>
      %slice3A_191 = vector.extract_strided_slice %dot_general3A_24 {offsets = [0, 1920], sizes = [256, 128], strides = [1, 1]} : vector<256x8192xf32> to vector<256x128xf32>
      %sub3A_192 = arith.subf %add3A_190, %slice3A_191 : vector<256x128xf32>
      %lt3A_193 = arith.cmpf olt, %sub3A_192, %select_n3A_183 : vector<256x128xf32>
      %select_n3A_194 = arith.select %lt3A_193, %sub3A_192, %select_n3A_183 : vector<256x128xi1>, vector<256x128xf32>
      %jit3A_195 = arith.constant 15 : i32
      %broadcast_in_dim3A_196 = vector.broadcast %jit3A_195 : i32 to vector<256x128xi32>
      %select_n3A_197 = arith.select %lt3A_193, %broadcast_in_dim3A_196, %select_n3A_186 : vector<256x128xi1>, vector<256x128xi32>
      %slice3A_198 = vector.extract_strided_slice %get3A_30 {offsets = [0, 2048], sizes = [1, 128], strides = [1, 1]} : vector<1x8192xf32> to vector<1x128xf32>
      %add3A_199 = vector.broadcast %get3A_27 : vector<256x1xf32> to vector<256x128xf32>
      %add3A_200 = vector.broadcast %slice3A_198 : vector<1x128xf32> to vector<256x128xf32>
      %add3A_201 = arith.addf %add3A_199, %add3A_200 : vector<256x128xf32>
      %slice3A_202 = vector.extract_strided_slice %dot_general3A_24 {offsets = [0, 2048], sizes = [256, 128], strides = [1, 1]} : vector<256x8192xf32> to vector<256x128xf32>
      %sub3A_203 = arith.subf %add3A_201, %slice3A_202 : vector<256x128xf32>
      %lt3A_204 = arith.cmpf olt, %sub3A_203, %select_n3A_194 : vector<256x128xf32>
      %select_n3A_205 = arith.select %lt3A_204, %sub3A_203, %select_n3A_194 : vector<256x128xi1>, vector<256x128xf32>
      %jit3A_206 = arith.constant 16 : i32
      %broadcast_in_dim3A_207 = vector.broadcast %jit3A_206 : i32 to vector<256x128xi32>
      %select_n3A_208 = arith.select %lt3A_204, %broadcast_in_dim3A_207, %select_n3A_197 : vector<256x128xi1>, vector<256x128xi32>
      %slice3A_209 = vector.extract_strided_slice %get3A_30 {offsets = [0, 2176], sizes = [1, 128], strides = [1, 1]} : vector<1x8192xf32> to vector<1x128xf32>
      %add3A_210 = vector.broadcast %get3A_27 : vector<256x1xf32> to vector<256x128xf32>
      %add3A_211 = vector.broadcast %slice3A_209 : vector<1x128xf32> to vector<256x128xf32>
      %add3A_212 = arith.addf %add3A_210, %add3A_211 : vector<256x128xf32>
      %slice3A_213 = vector.extract_strided_slice %dot_general3A_24 {offsets = [0, 2176], sizes = [256, 128], strides = [1, 1]} : vector<256x8192xf32> to vector<256x128xf32>
      %sub3A_214 = arith.subf %add3A_212, %slice3A_213 : vector<256x128xf32>
      %lt3A_215 = arith.cmpf olt, %sub3A_214, %select_n3A_205 : vector<256x128xf32>
      %select_n3A_216 = arith.select %lt3A_215, %sub3A_214, %select_n3A_205 : vector<256x128xi1>, vector<256x128xf32>
      %jit3A_217 = arith.constant 17 : i32
      %broadcast_in_dim3A_218 = vector.broadcast %jit3A_217 : i32 to vector<256x128xi32>
      %select_n3A_219 = arith.select %lt3A_215, %broadcast_in_dim3A_218, %select_n3A_208 : vector<256x128xi1>, vector<256x128xi32>
      %slice3A_220 = vector.extract_strided_slice %get3A_30 {offsets = [0, 2304], sizes = [1, 128], strides = [1, 1]} : vector<1x8192xf32> to vector<1x128xf32>
      %add3A_221 = vector.broadcast %get3A_27 : vector<256x1xf32> to vector<256x128xf32>
      %add3A_222 = vector.broadcast %slice3A_220 : vector<1x128xf32> to vector<256x128xf32>
      %add3A_223 = arith.addf %add3A_221, %add3A_222 : vector<256x128xf32>
      %slice3A_224 = vector.extract_strided_slice %dot_general3A_24 {offsets = [0, 2304], sizes = [256, 128], strides = [1, 1]} : vector<256x8192xf32> to vector<256x128xf32>
      %sub3A_225 = arith.subf %add3A_223, %slice3A_224 : vector<256x128xf32>
      %lt3A_226 = arith.cmpf olt, %sub3A_225, %select_n3A_216 : vector<256x128xf32>
      %select_n3A_227 = arith.select %lt3A_226, %sub3A_225, %select_n3A_216 : vector<256x128xi1>, vector<256x128xf32>
      %jit3A_228 = arith.constant 18 : i32
      %broadcast_in_dim3A_229 = vector.broadcast %jit3A_228 : i32 to vector<256x128xi32>
      %select_n3A_230 = arith.select %lt3A_226, %broadcast_in_dim3A_229, %select_n3A_219 : vector<256x128xi1>, vector<256x128xi32>
      %slice3A_231 = vector.extract_strided_slice %get3A_30 {offsets = [0, 2432], sizes = [1, 128], strides = [1, 1]} : vector<1x8192xf32> to vector<1x128xf32>
      %add3A_232 = vector.broadcast %get3A_27 : vector<256x1xf32> to vector<256x128xf32>
      %add3A_233 = vector.broadcast %slice3A_231 : vector<1x128xf32> to vector<256x128xf32>
      %add3A_234 = arith.addf %add3A_232, %add3A_233 : vector<256x128xf32>
      %slice3A_235 = vector.extract_strided_slice %dot_general3A_24 {offsets = [0, 2432], sizes = [256, 128], strides = [1, 1]} : vector<256x8192xf32> to vector<256x128xf32>
      %sub3A_236 = arith.subf %add3A_234, %slice3A_235 : vector<256x128xf32>
      %lt3A_237 = arith.cmpf olt, %sub3A_236, %select_n3A_227 : vector<256x128xf32>
      %select_n3A_238 = arith.select %lt3A_237, %sub3A_236, %select_n3A_227 : vector<256x128xi1>, vector<256x128xf32>
      %jit3A_239 = arith.constant 19 : i32
      %broadcast_in_dim3A_240 = vector.broadcast %jit3A_239 : i32 to vector<256x128xi32>
      %select_n3A_241 = arith.select %lt3A_237, %broadcast_in_dim3A_240, %select_n3A_230 : vector<256x128xi1>, vector<256x128xi32>
      %slice3A_242 = vector.extract_strided_slice %get3A_30 {offsets = [0, 2560], sizes = [1, 128], strides = [1, 1]} : vector<1x8192xf32> to vector<1x128xf32>
      %add3A_243 = vector.broadcast %get3A_27 : vector<256x1xf32> to vector<256x128xf32>
      %add3A_244 = vector.broadcast %slice3A_242 : vector<1x128xf32> to vector<256x128xf32>
      %add3A_245 = arith.addf %add3A_243, %add3A_244 : vector<256x128xf32>
      %slice3A_246 = vector.extract_strided_slice %dot_general3A_24 {offsets = [0, 2560], sizes = [256, 128], strides = [1, 1]} : vector<256x8192xf32> to vector<256x128xf32>
      %sub3A_247 = arith.subf %add3A_245, %slice3A_246 : vector<256x128xf32>
      %lt3A_248 = arith.cmpf olt, %sub3A_247, %select_n3A_238 : vector<256x128xf32>
      %select_n3A_249 = arith.select %lt3A_248, %sub3A_247, %select_n3A_238 : vector<256x128xi1>, vector<256x128xf32>
      %jit3A_250 = arith.constant 20 : i32
      %broadcast_in_dim3A_251 = vector.broadcast %jit3A_250 : i32 to vector<256x128xi32>
      %select_n3A_252 = arith.select %lt3A_248, %broadcast_in_dim3A_251, %select_n3A_241 : vector<256x128xi1>, vector<256x128xi32>
      %slice3A_253 = vector.extract_strided_slice %get3A_30 {offsets = [0, 2688], sizes = [1, 128], strides = [1, 1]} : vector<1x8192xf32> to vector<1x128xf32>
      %add3A_254 = vector.broadcast %get3A_27 : vector<256x1xf32> to vector<256x128xf32>
      %add3A_255 = vector.broadcast %slice3A_253 : vector<1x128xf32> to vector<256x128xf32>
      %add3A_256 = arith.addf %add3A_254, %add3A_255 : vector<256x128xf32>
      %slice3A_257 = vector.extract_strided_slice %dot_general3A_24 {offsets = [0, 2688], sizes = [256, 128], strides = [1, 1]} : vector<256x8192xf32> to vector<256x128xf32>
      %sub3A_258 = arith.subf %add3A_256, %slice3A_257 : vector<256x128xf32>
      %lt3A_259 = arith.cmpf olt, %sub3A_258, %select_n3A_249 : vector<256x128xf32>
      %select_n3A_260 = arith.select %lt3A_259, %sub3A_258, %select_n3A_249 : vector<256x128xi1>, vector<256x128xf32>
      %jit3A_261 = arith.constant 21 : i32
      %broadcast_in_dim3A_262 = vector.broadcast %jit3A_261 : i32 to vector<256x128xi32>
      %select_n3A_263 = arith.select %lt3A_259, %broadcast_in_dim3A_262, %select_n3A_252 : vector<256x128xi1>, vector<256x128xi32>
      %slice3A_264 = vector.extract_strided_slice %get3A_30 {offsets = [0, 2816], sizes = [1, 128], strides = [1, 1]} : vector<1x8192xf32> to vector<1x128xf32>
      %add3A_265 = vector.broadcast %get3A_27 : vector<256x1xf32> to vector<256x128xf32>
      %add3A_266 = vector.broadcast %slice3A_264 : vector<1x128xf32> to vector<256x128xf32>
      %add3A_267 = arith.addf %add3A_265, %add3A_266 : vector<256x128xf32>
      %slice3A_268 = vector.extract_strided_slice %dot_general3A_24 {offsets = [0, 2816], sizes = [256, 128], strides = [1, 1]} : vector<256x8192xf32> to vector<256x128xf32>
      %sub3A_269 = arith.subf %add3A_267, %slice3A_268 : vector<256x128xf32>
      %lt3A_270 = arith.cmpf olt, %sub3A_269, %select_n3A_260 : vector<256x128xf32>
      %select_n3A_271 = arith.select %lt3A_270, %sub3A_269, %select_n3A_260 : vector<256x128xi1>, vector<256x128xf32>
      %jit3A_272 = arith.constant 22 : i32
      %broadcast_in_dim3A_273 = vector.broadcast %jit3A_272 : i32 to vector<256x128xi32>
      %select_n3A_274 = arith.select %lt3A_270, %broadcast_in_dim3A_273, %select_n3A_263 : vector<256x128xi1>, vector<256x128xi32>
      %slice3A_275 = vector.extract_strided_slice %get3A_30 {offsets = [0, 2944], sizes = [1, 128], strides = [1, 1]} : vector<1x8192xf32> to vector<1x128xf32>
      %add3A_276 = vector.broadcast %get3A_27 : vector<256x1xf32> to vector<256x128xf32>
      %add3A_277 = vector.broadcast %slice3A_275 : vector<1x128xf32> to vector<256x128xf32>
      %add3A_278 = arith.addf %add3A_276, %add3A_277 : vector<256x128xf32>
      %slice3A_279 = vector.extract_strided_slice %dot_general3A_24 {offsets = [0, 2944], sizes = [256, 128], strides = [1, 1]} : vector<256x8192xf32> to vector<256x128xf32>
      %sub3A_280 = arith.subf %add3A_278, %slice3A_279 : vector<256x128xf32>
      %lt3A_281 = arith.cmpf olt, %sub3A_280, %select_n3A_271 : vector<256x128xf32>
      %select_n3A_282 = arith.select %lt3A_281, %sub3A_280, %select_n3A_271 : vector<256x128xi1>, vector<256x128xf32>
      %jit3A_283 = arith.constant 23 : i32
      %broadcast_in_dim3A_284 = vector.broadcast %jit3A_283 : i32 to vector<256x128xi32>
      %select_n3A_285 = arith.select %lt3A_281, %broadcast_in_dim3A_284, %select_n3A_274 : vector<256x128xi1>, vector<256x128xi32>
      %slice3A_286 = vector.extract_strided_slice %get3A_30 {offsets = [0, 3072], sizes = [1, 128], strides = [1, 1]} : vector<1x8192xf32> to vector<1x128xf32>
      %add3A_287 = vector.broadcast %get3A_27 : vector<256x1xf32> to vector<256x128xf32>
      %add3A_288 = vector.broadcast %slice3A_286 : vector<1x128xf32> to vector<256x128xf32>
      %add3A_289 = arith.addf %add3A_287, %add3A_288 : vector<256x128xf32>
      %slice3A_290 = vector.extract_strided_slice %dot_general3A_24 {offsets = [0, 3072], sizes = [256, 128], strides = [1, 1]} : vector<256x8192xf32> to vector<256x128xf32>
      %sub3A_291 = arith.subf %add3A_289, %slice3A_290 : vector<256x128xf32>
      %lt3A_292 = arith.cmpf olt, %sub3A_291, %select_n3A_282 : vector<256x128xf32>
      %select_n3A_293 = arith.select %lt3A_292, %sub3A_291, %select_n3A_282 : vector<256x128xi1>, vector<256x128xf32>
      %jit3A_294 = arith.constant 24 : i32
      %broadcast_in_dim3A_295 = vector.broadcast %jit3A_294 : i32 to vector<256x128xi32>
      %select_n3A_296 = arith.select %lt3A_292, %broadcast_in_dim3A_295, %select_n3A_285 : vector<256x128xi1>, vector<256x128xi32>
      %slice3A_297 = vector.extract_strided_slice %get3A_30 {offsets = [0, 3200], sizes = [1, 128], strides = [1, 1]} : vector<1x8192xf32> to vector<1x128xf32>
      %add3A_298 = vector.broadcast %get3A_27 : vector<256x1xf32> to vector<256x128xf32>
      %add3A_299 = vector.broadcast %slice3A_297 : vector<1x128xf32> to vector<256x128xf32>
      %add3A_300 = arith.addf %add3A_298, %add3A_299 : vector<256x128xf32>
      %slice3A_301 = vector.extract_strided_slice %dot_general3A_24 {offsets = [0, 3200], sizes = [256, 128], strides = [1, 1]} : vector<256x8192xf32> to vector<256x128xf32>
      %sub3A_302 = arith.subf %add3A_300, %slice3A_301 : vector<256x128xf32>
      %lt3A_303 = arith.cmpf olt, %sub3A_302, %select_n3A_293 : vector<256x128xf32>
      %select_n3A_304 = arith.select %lt3A_303, %sub3A_302, %select_n3A_293 : vector<256x128xi1>, vector<256x128xf32>
      %jit3A_305 = arith.constant 25 : i32
      %broadcast_in_dim3A_306 = vector.broadcast %jit3A_305 : i32 to vector<256x128xi32>
      %select_n3A_307 = arith.select %lt3A_303, %broadcast_in_dim3A_306, %select_n3A_296 : vector<256x128xi1>, vector<256x128xi32>
      %slice3A_308 = vector.extract_strided_slice %get3A_30 {offsets = [0, 3328], sizes = [1, 128], strides = [1, 1]} : vector<1x8192xf32> to vector<1x128xf32>
      %add3A_309 = vector.broadcast %get3A_27 : vector<256x1xf32> to vector<256x128xf32>
      %add3A_310 = vector.broadcast %slice3A_308 : vector<1x128xf32> to vector<256x128xf32>
      %add3A_311 = arith.addf %add3A_309, %add3A_310 : vector<256x128xf32>
      %slice3A_312 = vector.extract_strided_slice %dot_general3A_24 {offsets = [0, 3328], sizes = [256, 128], strides = [1, 1]} : vector<256x8192xf32> to vector<256x128xf32>
      %sub3A_313 = arith.subf %add3A_311, %slice3A_312 : vector<256x128xf32>
      %lt3A_314 = arith.cmpf olt, %sub3A_313, %select_n3A_304 : vector<256x128xf32>
      %select_n3A_315 = arith.select %lt3A_314, %sub3A_313, %select_n3A_304 : vector<256x128xi1>, vector<256x128xf32>
      %jit3A_316 = arith.constant 26 : i32
      %broadcast_in_dim3A_317 = vector.broadcast %jit3A_316 : i32 to vector<256x128xi32>
      %select_n3A_318 = arith.select %lt3A_314, %broadcast_in_dim3A_317, %select_n3A_307 : vector<256x128xi1>, vector<256x128xi32>
      %slice3A_319 = vector.extract_strided_slice %get3A_30 {offsets = [0, 3456], sizes = [1, 128], strides = [1, 1]} : vector<1x8192xf32> to vector<1x128xf32>
      %add3A_320 = vector.broadcast %get3A_27 : vector<256x1xf32> to vector<256x128xf32>
      %add3A_321 = vector.broadcast %slice3A_319 : vector<1x128xf32> to vector<256x128xf32>
      %add3A_322 = arith.addf %add3A_320, %add3A_321 : vector<256x128xf32>
      %slice3A_323 = vector.extract_strided_slice %dot_general3A_24 {offsets = [0, 3456], sizes = [256, 128], strides = [1, 1]} : vector<256x8192xf32> to vector<256x128xf32>
      %sub3A_324 = arith.subf %add3A_322, %slice3A_323 : vector<256x128xf32>
      %lt3A_325 = arith.cmpf olt, %sub3A_324, %select_n3A_315 : vector<256x128xf32>
      %select_n3A_326 = arith.select %lt3A_325, %sub3A_324, %select_n3A_315 : vector<256x128xi1>, vector<256x128xf32>
      %jit3A_327 = arith.constant 27 : i32
      %broadcast_in_dim3A_328 = vector.broadcast %jit3A_327 : i32 to vector<256x128xi32>
      %select_n3A_329 = arith.select %lt3A_325, %broadcast_in_dim3A_328, %select_n3A_318 : vector<256x128xi1>, vector<256x128xi32>
      %slice3A_330 = vector.extract_strided_slice %get3A_30 {offsets = [0, 3584], sizes = [1, 128], strides = [1, 1]} : vector<1x8192xf32> to vector<1x128xf32>
      %add3A_331 = vector.broadcast %get3A_27 : vector<256x1xf32> to vector<256x128xf32>
      %add3A_332 = vector.broadcast %slice3A_330 : vector<1x128xf32> to vector<256x128xf32>
      %add3A_333 = arith.addf %add3A_331, %add3A_332 : vector<256x128xf32>
      %slice3A_334 = vector.extract_strided_slice %dot_general3A_24 {offsets = [0, 3584], sizes = [256, 128], strides = [1, 1]} : vector<256x8192xf32> to vector<256x128xf32>
      %sub3A_335 = arith.subf %add3A_333, %slice3A_334 : vector<256x128xf32>
      %lt3A_336 = arith.cmpf olt, %sub3A_335, %select_n3A_326 : vector<256x128xf32>
      %select_n3A_337 = arith.select %lt3A_336, %sub3A_335, %select_n3A_326 : vector<256x128xi1>, vector<256x128xf32>
      %jit3A_338 = arith.constant 28 : i32
      %broadcast_in_dim3A_339 = vector.broadcast %jit3A_338 : i32 to vector<256x128xi32>
      %select_n3A_340 = arith.select %lt3A_336, %broadcast_in_dim3A_339, %select_n3A_329 : vector<256x128xi1>, vector<256x128xi32>
      %slice3A_341 = vector.extract_strided_slice %get3A_30 {offsets = [0, 3712], sizes = [1, 128], strides = [1, 1]} : vector<1x8192xf32> to vector<1x128xf32>
      %add3A_342 = vector.broadcast %get3A_27 : vector<256x1xf32> to vector<256x128xf32>
      %add3A_343 = vector.broadcast %slice3A_341 : vector<1x128xf32> to vector<256x128xf32>
      %add3A_344 = arith.addf %add3A_342, %add3A_343 : vector<256x128xf32>
      %slice3A_345 = vector.extract_strided_slice %dot_general3A_24 {offsets = [0, 3712], sizes = [256, 128], strides = [1, 1]} : vector<256x8192xf32> to vector<256x128xf32>
      %sub3A_346 = arith.subf %add3A_344, %slice3A_345 : vector<256x128xf32>
      %lt3A_347 = arith.cmpf olt, %sub3A_346, %select_n3A_337 : vector<256x128xf32>
      %select_n3A_348 = arith.select %lt3A_347, %sub3A_346, %select_n3A_337 : vector<256x128xi1>, vector<256x128xf32>
      %jit3A_349 = arith.constant 29 : i32
      %broadcast_in_dim3A_350 = vector.broadcast %jit3A_349 : i32 to vector<256x128xi32>
      %select_n3A_351 = arith.select %lt3A_347, %broadcast_in_dim3A_350, %select_n3A_340 : vector<256x128xi1>, vector<256x128xi32>
      %slice3A_352 = vector.extract_strided_slice %get3A_30 {offsets = [0, 3840], sizes = [1, 128], strides = [1, 1]} : vector<1x8192xf32> to vector<1x128xf32>
      %add3A_353 = vector.broadcast %get3A_27 : vector<256x1xf32> to vector<256x128xf32>
      %add3A_354 = vector.broadcast %slice3A_352 : vector<1x128xf32> to vector<256x128xf32>
      %add3A_355 = arith.addf %add3A_353, %add3A_354 : vector<256x128xf32>
      %slice3A_356 = vector.extract_strided_slice %dot_general3A_24 {offsets = [0, 3840], sizes = [256, 128], strides = [1, 1]} : vector<256x8192xf32> to vector<256x128xf32>
      %sub3A_357 = arith.subf %add3A_355, %slice3A_356 : vector<256x128xf32>
      %lt3A_358 = arith.cmpf olt, %sub3A_357, %select_n3A_348 : vector<256x128xf32>
      %select_n3A_359 = arith.select %lt3A_358, %sub3A_357, %select_n3A_348 : vector<256x128xi1>, vector<256x128xf32>
      %jit3A_360 = arith.constant 30 : i32
      %broadcast_in_dim3A_361 = vector.broadcast %jit3A_360 : i32 to vector<256x128xi32>
      %select_n3A_362 = arith.select %lt3A_358, %broadcast_in_dim3A_361, %select_n3A_351 : vector<256x128xi1>, vector<256x128xi32>
      %slice3A_363 = vector.extract_strided_slice %get3A_30 {offsets = [0, 3968], sizes = [1, 128], strides = [1, 1]} : vector<1x8192xf32> to vector<1x128xf32>
      %add3A_364 = vector.broadcast %get3A_27 : vector<256x1xf32> to vector<256x128xf32>
      %add3A_365 = vector.broadcast %slice3A_363 : vector<1x128xf32> to vector<256x128xf32>
      %add3A_366 = arith.addf %add3A_364, %add3A_365 : vector<256x128xf32>
      %slice3A_367 = vector.extract_strided_slice %dot_general3A_24 {offsets = [0, 3968], sizes = [256, 128], strides = [1, 1]} : vector<256x8192xf32> to vector<256x128xf32>
      %sub3A_368 = arith.subf %add3A_366, %slice3A_367 : vector<256x128xf32>
      %lt3A_369 = arith.cmpf olt, %sub3A_368, %select_n3A_359 : vector<256x128xf32>
      %select_n3A_370 = arith.select %lt3A_369, %sub3A_368, %select_n3A_359 : vector<256x128xi1>, vector<256x128xf32>
      %jit3A_371 = arith.constant 31 : i32
      %broadcast_in_dim3A_372 = vector.broadcast %jit3A_371 : i32 to vector<256x128xi32>
      %select_n3A_373 = arith.select %lt3A_369, %broadcast_in_dim3A_372, %select_n3A_362 : vector<256x128xi1>, vector<256x128xi32>
      %reduce_min3A = arith.constant dense<0x7F800000> : vector<256xf32>
      %reduce_min3A_374 = vector.multi_reduction <minimumf>, %select_n3A_370, %reduce_min3A [1] : vector<256x128xf32> to vector<256xf32>
      %broadcast_in_dim3A_375 = vector.shape_cast %reduce_min3A_374 : vector<256xf32> to vector<256x1xf32>
      %eq3A_376 = vector.broadcast %broadcast_in_dim3A_375 : vector<256x1xf32> to vector<256x128xf32>
      %eq3A_377 = arith.cmpf oeq, %select_n3A_370, %eq3A_376 : vector<256x128xf32>
      %mul3A_378 = arith.constant 128 : i32
      %mul3A_379 = vector.broadcast %mul3A_378 : i32 to vector<256x128xi32>
      %mul3A_380 = arith.muli %select_n3A_373, %mul3A_379 : vector<256x128xi32>
      %add3A_381 = arith.addi %mul3A_380, %iota3A : vector<256x128xi32>
      %jit3A_382 = arith.constant 1073741824 : i32
      %broadcast_in_dim3A_383 = vector.broadcast %jit3A_382 : i32 to vector<256x128xi32>
      %select_n3A_384 = arith.select %eq3A_377, %add3A_381, %broadcast_in_dim3A_383 : vector<256x128xi1>, vector<256x128xi32>
      %reduce_min3A_385 = arith.constant dense<2147483647> : vector<256xi32>
      %reduce_min3A_386 = vector.multi_reduction <minsi>, %select_n3A_384, %reduce_min3A_385 [1] : vector<256x128xi32> to vector<256xi32>
      %broadcast_in_dim3A_387 = vector.shape_cast %reduce_min3A_386 : vector<256xi32> to vector<256x1xi32>
      %slice3A_388 = vector.extract_strided_slice %get3A_30 {offsets = [0, 4096], sizes = [1, 128], strides = [1, 1]} : vector<1x8192xf32> to vector<1x128xf32>
      %add3A_389 = vector.broadcast %get3A_27 : vector<256x1xf32> to vector<256x128xf32>
      %add3A_390 = vector.broadcast %slice3A_388 : vector<1x128xf32> to vector<256x128xf32>
      %add3A_391 = arith.addf %add3A_389, %add3A_390 : vector<256x128xf32>
      %slice3A_392 = vector.extract_strided_slice %dot_general3A_24 {offsets = [0, 4096], sizes = [256, 128], strides = [1, 1]} : vector<256x8192xf32> to vector<256x128xf32>
      %sub3A_393 = arith.subf %add3A_391, %slice3A_392 : vector<256x128xf32>
      %broadcast_in_dim3A_394 = arith.constant 0 : i32
      %broadcast_in_dim3A_395 = vector.broadcast %broadcast_in_dim3A_394 : i32 to vector<256x128xi32>
      %slice3A_396 = vector.extract_strided_slice %get3A_30 {offsets = [0, 4224], sizes = [1, 128], strides = [1, 1]} : vector<1x8192xf32> to vector<1x128xf32>
      %add3A_397 = vector.broadcast %get3A_27 : vector<256x1xf32> to vector<256x128xf32>
      %add3A_398 = vector.broadcast %slice3A_396 : vector<1x128xf32> to vector<256x128xf32>
      %add3A_399 = arith.addf %add3A_397, %add3A_398 : vector<256x128xf32>
      %slice3A_400 = vector.extract_strided_slice %dot_general3A_24 {offsets = [0, 4224], sizes = [256, 128], strides = [1, 1]} : vector<256x8192xf32> to vector<256x128xf32>
      %sub3A_401 = arith.subf %add3A_399, %slice3A_400 : vector<256x128xf32>
      %lt3A_402 = arith.cmpf olt, %sub3A_401, %sub3A_393 : vector<256x128xf32>
      %select_n3A_403 = arith.select %lt3A_402, %sub3A_401, %sub3A_393 : vector<256x128xi1>, vector<256x128xf32>
      %jit3A_404 = arith.constant 1 : i32
      %broadcast_in_dim3A_405 = vector.broadcast %jit3A_404 : i32 to vector<256x128xi32>
      %select_n3A_406 = arith.select %lt3A_402, %broadcast_in_dim3A_405, %broadcast_in_dim3A_395 : vector<256x128xi1>, vector<256x128xi32>
      %slice3A_407 = vector.extract_strided_slice %get3A_30 {offsets = [0, 4352], sizes = [1, 128], strides = [1, 1]} : vector<1x8192xf32> to vector<1x128xf32>
      %add3A_408 = vector.broadcast %get3A_27 : vector<256x1xf32> to vector<256x128xf32>
      %add3A_409 = vector.broadcast %slice3A_407 : vector<1x128xf32> to vector<256x128xf32>
      %add3A_410 = arith.addf %add3A_408, %add3A_409 : vector<256x128xf32>
      %slice3A_411 = vector.extract_strided_slice %dot_general3A_24 {offsets = [0, 4352], sizes = [256, 128], strides = [1, 1]} : vector<256x8192xf32> to vector<256x128xf32>
      %sub3A_412 = arith.subf %add3A_410, %slice3A_411 : vector<256x128xf32>
      %lt3A_413 = arith.cmpf olt, %sub3A_412, %select_n3A_403 : vector<256x128xf32>
      %select_n3A_414 = arith.select %lt3A_413, %sub3A_412, %select_n3A_403 : vector<256x128xi1>, vector<256x128xf32>
      %jit3A_415 = arith.constant 2 : i32
      %broadcast_in_dim3A_416 = vector.broadcast %jit3A_415 : i32 to vector<256x128xi32>
      %select_n3A_417 = arith.select %lt3A_413, %broadcast_in_dim3A_416, %select_n3A_406 : vector<256x128xi1>, vector<256x128xi32>
      %slice3A_418 = vector.extract_strided_slice %get3A_30 {offsets = [0, 4480], sizes = [1, 128], strides = [1, 1]} : vector<1x8192xf32> to vector<1x128xf32>
      %add3A_419 = vector.broadcast %get3A_27 : vector<256x1xf32> to vector<256x128xf32>
      %add3A_420 = vector.broadcast %slice3A_418 : vector<1x128xf32> to vector<256x128xf32>
      %add3A_421 = arith.addf %add3A_419, %add3A_420 : vector<256x128xf32>
      %slice3A_422 = vector.extract_strided_slice %dot_general3A_24 {offsets = [0, 4480], sizes = [256, 128], strides = [1, 1]} : vector<256x8192xf32> to vector<256x128xf32>
      %sub3A_423 = arith.subf %add3A_421, %slice3A_422 : vector<256x128xf32>
      %lt3A_424 = arith.cmpf olt, %sub3A_423, %select_n3A_414 : vector<256x128xf32>
      %select_n3A_425 = arith.select %lt3A_424, %sub3A_423, %select_n3A_414 : vector<256x128xi1>, vector<256x128xf32>
      %jit3A_426 = arith.constant 3 : i32
      %broadcast_in_dim3A_427 = vector.broadcast %jit3A_426 : i32 to vector<256x128xi32>
      %select_n3A_428 = arith.select %lt3A_424, %broadcast_in_dim3A_427, %select_n3A_417 : vector<256x128xi1>, vector<256x128xi32>
      %slice3A_429 = vector.extract_strided_slice %get3A_30 {offsets = [0, 4608], sizes = [1, 128], strides = [1, 1]} : vector<1x8192xf32> to vector<1x128xf32>
      %add3A_430 = vector.broadcast %get3A_27 : vector<256x1xf32> to vector<256x128xf32>
      %add3A_431 = vector.broadcast %slice3A_429 : vector<1x128xf32> to vector<256x128xf32>
      %add3A_432 = arith.addf %add3A_430, %add3A_431 : vector<256x128xf32>
      %slice3A_433 = vector.extract_strided_slice %dot_general3A_24 {offsets = [0, 4608], sizes = [256, 128], strides = [1, 1]} : vector<256x8192xf32> to vector<256x128xf32>
      %sub3A_434 = arith.subf %add3A_432, %slice3A_433 : vector<256x128xf32>
      %lt3A_435 = arith.cmpf olt, %sub3A_434, %select_n3A_425 : vector<256x128xf32>
      %select_n3A_436 = arith.select %lt3A_435, %sub3A_434, %select_n3A_425 : vector<256x128xi1>, vector<256x128xf32>
      %jit3A_437 = arith.constant 4 : i32
      %broadcast_in_dim3A_438 = vector.broadcast %jit3A_437 : i32 to vector<256x128xi32>
      %select_n3A_439 = arith.select %lt3A_435, %broadcast_in_dim3A_438, %select_n3A_428 : vector<256x128xi1>, vector<256x128xi32>
      %slice3A_440 = vector.extract_strided_slice %get3A_30 {offsets = [0, 4736], sizes = [1, 128], strides = [1, 1]} : vector<1x8192xf32> to vector<1x128xf32>
      %add3A_441 = vector.broadcast %get3A_27 : vector<256x1xf32> to vector<256x128xf32>
      %add3A_442 = vector.broadcast %slice3A_440 : vector<1x128xf32> to vector<256x128xf32>
      %add3A_443 = arith.addf %add3A_441, %add3A_442 : vector<256x128xf32>
      %slice3A_444 = vector.extract_strided_slice %dot_general3A_24 {offsets = [0, 4736], sizes = [256, 128], strides = [1, 1]} : vector<256x8192xf32> to vector<256x128xf32>
      %sub3A_445 = arith.subf %add3A_443, %slice3A_444 : vector<256x128xf32>
      %lt3A_446 = arith.cmpf olt, %sub3A_445, %select_n3A_436 : vector<256x128xf32>
      %select_n3A_447 = arith.select %lt3A_446, %sub3A_445, %select_n3A_436 : vector<256x128xi1>, vector<256x128xf32>
      %jit3A_448 = arith.constant 5 : i32
      %broadcast_in_dim3A_449 = vector.broadcast %jit3A_448 : i32 to vector<256x128xi32>
      %select_n3A_450 = arith.select %lt3A_446, %broadcast_in_dim3A_449, %select_n3A_439 : vector<256x128xi1>, vector<256x128xi32>
      %slice3A_451 = vector.extract_strided_slice %get3A_30 {offsets = [0, 4864], sizes = [1, 128], strides = [1, 1]} : vector<1x8192xf32> to vector<1x128xf32>
      %add3A_452 = vector.broadcast %get3A_27 : vector<256x1xf32> to vector<256x128xf32>
      %add3A_453 = vector.broadcast %slice3A_451 : vector<1x128xf32> to vector<256x128xf32>
      %add3A_454 = arith.addf %add3A_452, %add3A_453 : vector<256x128xf32>
      %slice3A_455 = vector.extract_strided_slice %dot_general3A_24 {offsets = [0, 4864], sizes = [256, 128], strides = [1, 1]} : vector<256x8192xf32> to vector<256x128xf32>
      %sub3A_456 = arith.subf %add3A_454, %slice3A_455 : vector<256x128xf32>
      %lt3A_457 = arith.cmpf olt, %sub3A_456, %select_n3A_447 : vector<256x128xf32>
      %select_n3A_458 = arith.select %lt3A_457, %sub3A_456, %select_n3A_447 : vector<256x128xi1>, vector<256x128xf32>
      %jit3A_459 = arith.constant 6 : i32
      %broadcast_in_dim3A_460 = vector.broadcast %jit3A_459 : i32 to vector<256x128xi32>
      %select_n3A_461 = arith.select %lt3A_457, %broadcast_in_dim3A_460, %select_n3A_450 : vector<256x128xi1>, vector<256x128xi32>
      %slice3A_462 = vector.extract_strided_slice %get3A_30 {offsets = [0, 4992], sizes = [1, 128], strides = [1, 1]} : vector<1x8192xf32> to vector<1x128xf32>
      %add3A_463 = vector.broadcast %get3A_27 : vector<256x1xf32> to vector<256x128xf32>
      %add3A_464 = vector.broadcast %slice3A_462 : vector<1x128xf32> to vector<256x128xf32>
      %add3A_465 = arith.addf %add3A_463, %add3A_464 : vector<256x128xf32>
      %slice3A_466 = vector.extract_strided_slice %dot_general3A_24 {offsets = [0, 4992], sizes = [256, 128], strides = [1, 1]} : vector<256x8192xf32> to vector<256x128xf32>
      %sub3A_467 = arith.subf %add3A_465, %slice3A_466 : vector<256x128xf32>
      %lt3A_468 = arith.cmpf olt, %sub3A_467, %select_n3A_458 : vector<256x128xf32>
      %select_n3A_469 = arith.select %lt3A_468, %sub3A_467, %select_n3A_458 : vector<256x128xi1>, vector<256x128xf32>
      %jit3A_470 = arith.constant 7 : i32
      %broadcast_in_dim3A_471 = vector.broadcast %jit3A_470 : i32 to vector<256x128xi32>
      %select_n3A_472 = arith.select %lt3A_468, %broadcast_in_dim3A_471, %select_n3A_461 : vector<256x128xi1>, vector<256x128xi32>
      %slice3A_473 = vector.extract_strided_slice %get3A_30 {offsets = [0, 5120], sizes = [1, 128], strides = [1, 1]} : vector<1x8192xf32> to vector<1x128xf32>
      %add3A_474 = vector.broadcast %get3A_27 : vector<256x1xf32> to vector<256x128xf32>
      %add3A_475 = vector.broadcast %slice3A_473 : vector<1x128xf32> to vector<256x128xf32>
      %add3A_476 = arith.addf %add3A_474, %add3A_475 : vector<256x128xf32>
      %slice3A_477 = vector.extract_strided_slice %dot_general3A_24 {offsets = [0, 5120], sizes = [256, 128], strides = [1, 1]} : vector<256x8192xf32> to vector<256x128xf32>
      %sub3A_478 = arith.subf %add3A_476, %slice3A_477 : vector<256x128xf32>
      %lt3A_479 = arith.cmpf olt, %sub3A_478, %select_n3A_469 : vector<256x128xf32>
      %select_n3A_480 = arith.select %lt3A_479, %sub3A_478, %select_n3A_469 : vector<256x128xi1>, vector<256x128xf32>
      %jit3A_481 = arith.constant 8 : i32
      %broadcast_in_dim3A_482 = vector.broadcast %jit3A_481 : i32 to vector<256x128xi32>
      %select_n3A_483 = arith.select %lt3A_479, %broadcast_in_dim3A_482, %select_n3A_472 : vector<256x128xi1>, vector<256x128xi32>
      %slice3A_484 = vector.extract_strided_slice %get3A_30 {offsets = [0, 5248], sizes = [1, 128], strides = [1, 1]} : vector<1x8192xf32> to vector<1x128xf32>
      %add3A_485 = vector.broadcast %get3A_27 : vector<256x1xf32> to vector<256x128xf32>
      %add3A_486 = vector.broadcast %slice3A_484 : vector<1x128xf32> to vector<256x128xf32>
      %add3A_487 = arith.addf %add3A_485, %add3A_486 : vector<256x128xf32>
      %slice3A_488 = vector.extract_strided_slice %dot_general3A_24 {offsets = [0, 5248], sizes = [256, 128], strides = [1, 1]} : vector<256x8192xf32> to vector<256x128xf32>
      %sub3A_489 = arith.subf %add3A_487, %slice3A_488 : vector<256x128xf32>
      %lt3A_490 = arith.cmpf olt, %sub3A_489, %select_n3A_480 : vector<256x128xf32>
      %select_n3A_491 = arith.select %lt3A_490, %sub3A_489, %select_n3A_480 : vector<256x128xi1>, vector<256x128xf32>
      %jit3A_492 = arith.constant 9 : i32
      %broadcast_in_dim3A_493 = vector.broadcast %jit3A_492 : i32 to vector<256x128xi32>
      %select_n3A_494 = arith.select %lt3A_490, %broadcast_in_dim3A_493, %select_n3A_483 : vector<256x128xi1>, vector<256x128xi32>
      %slice3A_495 = vector.extract_strided_slice %get3A_30 {offsets = [0, 5376], sizes = [1, 128], strides = [1, 1]} : vector<1x8192xf32> to vector<1x128xf32>
      %add3A_496 = vector.broadcast %get3A_27 : vector<256x1xf32> to vector<256x128xf32>
      %add3A_497 = vector.broadcast %slice3A_495 : vector<1x128xf32> to vector<256x128xf32>
      %add3A_498 = arith.addf %add3A_496, %add3A_497 : vector<256x128xf32>
      %slice3A_499 = vector.extract_strided_slice %dot_general3A_24 {offsets = [0, 5376], sizes = [256, 128], strides = [1, 1]} : vector<256x8192xf32> to vector<256x128xf32>
      %sub3A_500 = arith.subf %add3A_498, %slice3A_499 : vector<256x128xf32>
      %lt3A_501 = arith.cmpf olt, %sub3A_500, %select_n3A_491 : vector<256x128xf32>
      %select_n3A_502 = arith.select %lt3A_501, %sub3A_500, %select_n3A_491 : vector<256x128xi1>, vector<256x128xf32>
      %jit3A_503 = arith.constant 10 : i32
      %broadcast_in_dim3A_504 = vector.broadcast %jit3A_503 : i32 to vector<256x128xi32>
      %select_n3A_505 = arith.select %lt3A_501, %broadcast_in_dim3A_504, %select_n3A_494 : vector<256x128xi1>, vector<256x128xi32>
      %slice3A_506 = vector.extract_strided_slice %get3A_30 {offsets = [0, 5504], sizes = [1, 128], strides = [1, 1]} : vector<1x8192xf32> to vector<1x128xf32>
      %add3A_507 = vector.broadcast %get3A_27 : vector<256x1xf32> to vector<256x128xf32>
      %add3A_508 = vector.broadcast %slice3A_506 : vector<1x128xf32> to vector<256x128xf32>
      %add3A_509 = arith.addf %add3A_507, %add3A_508 : vector<256x128xf32>
      %slice3A_510 = vector.extract_strided_slice %dot_general3A_24 {offsets = [0, 5504], sizes = [256, 128], strides = [1, 1]} : vector<256x8192xf32> to vector<256x128xf32>
      %sub3A_511 = arith.subf %add3A_509, %slice3A_510 : vector<256x128xf32>
      %lt3A_512 = arith.cmpf olt, %sub3A_511, %select_n3A_502 : vector<256x128xf32>
      %select_n3A_513 = arith.select %lt3A_512, %sub3A_511, %select_n3A_502 : vector<256x128xi1>, vector<256x128xf32>
      %jit3A_514 = arith.constant 11 : i32
      %broadcast_in_dim3A_515 = vector.broadcast %jit3A_514 : i32 to vector<256x128xi32>
      %select_n3A_516 = arith.select %lt3A_512, %broadcast_in_dim3A_515, %select_n3A_505 : vector<256x128xi1>, vector<256x128xi32>
      %slice3A_517 = vector.extract_strided_slice %get3A_30 {offsets = [0, 5632], sizes = [1, 128], strides = [1, 1]} : vector<1x8192xf32> to vector<1x128xf32>
      %add3A_518 = vector.broadcast %get3A_27 : vector<256x1xf32> to vector<256x128xf32>
      %add3A_519 = vector.broadcast %slice3A_517 : vector<1x128xf32> to vector<256x128xf32>
      %add3A_520 = arith.addf %add3A_518, %add3A_519 : vector<256x128xf32>
      %slice3A_521 = vector.extract_strided_slice %dot_general3A_24 {offsets = [0, 5632], sizes = [256, 128], strides = [1, 1]} : vector<256x8192xf32> to vector<256x128xf32>
      %sub3A_522 = arith.subf %add3A_520, %slice3A_521 : vector<256x128xf32>
      %lt3A_523 = arith.cmpf olt, %sub3A_522, %select_n3A_513 : vector<256x128xf32>
      %select_n3A_524 = arith.select %lt3A_523, %sub3A_522, %select_n3A_513 : vector<256x128xi1>, vector<256x128xf32>
      %jit3A_525 = arith.constant 12 : i32
      %broadcast_in_dim3A_526 = vector.broadcast %jit3A_525 : i32 to vector<256x128xi32>
      %select_n3A_527 = arith.select %lt3A_523, %broadcast_in_dim3A_526, %select_n3A_516 : vector<256x128xi1>, vector<256x128xi32>
      %slice3A_528 = vector.extract_strided_slice %get3A_30 {offsets = [0, 5760], sizes = [1, 128], strides = [1, 1]} : vector<1x8192xf32> to vector<1x128xf32>
      %add3A_529 = vector.broadcast %get3A_27 : vector<256x1xf32> to vector<256x128xf32>
      %add3A_530 = vector.broadcast %slice3A_528 : vector<1x128xf32> to vector<256x128xf32>
      %add3A_531 = arith.addf %add3A_529, %add3A_530 : vector<256x128xf32>
      %slice3A_532 = vector.extract_strided_slice %dot_general3A_24 {offsets = [0, 5760], sizes = [256, 128], strides = [1, 1]} : vector<256x8192xf32> to vector<256x128xf32>
      %sub3A_533 = arith.subf %add3A_531, %slice3A_532 : vector<256x128xf32>
      %lt3A_534 = arith.cmpf olt, %sub3A_533, %select_n3A_524 : vector<256x128xf32>
      %select_n3A_535 = arith.select %lt3A_534, %sub3A_533, %select_n3A_524 : vector<256x128xi1>, vector<256x128xf32>
      %jit3A_536 = arith.constant 13 : i32
      %broadcast_in_dim3A_537 = vector.broadcast %jit3A_536 : i32 to vector<256x128xi32>
      %select_n3A_538 = arith.select %lt3A_534, %broadcast_in_dim3A_537, %select_n3A_527 : vector<256x128xi1>, vector<256x128xi32>
      %slice3A_539 = vector.extract_strided_slice %get3A_30 {offsets = [0, 5888], sizes = [1, 128], strides = [1, 1]} : vector<1x8192xf32> to vector<1x128xf32>
      %add3A_540 = vector.broadcast %get3A_27 : vector<256x1xf32> to vector<256x128xf32>
      %add3A_541 = vector.broadcast %slice3A_539 : vector<1x128xf32> to vector<256x128xf32>
      %add3A_542 = arith.addf %add3A_540, %add3A_541 : vector<256x128xf32>
      %slice3A_543 = vector.extract_strided_slice %dot_general3A_24 {offsets = [0, 5888], sizes = [256, 128], strides = [1, 1]} : vector<256x8192xf32> to vector<256x128xf32>
      %sub3A_544 = arith.subf %add3A_542, %slice3A_543 : vector<256x128xf32>
      %lt3A_545 = arith.cmpf olt, %sub3A_544, %select_n3A_535 : vector<256x128xf32>
      %select_n3A_546 = arith.select %lt3A_545, %sub3A_544, %select_n3A_535 : vector<256x128xi1>, vector<256x128xf32>
      %jit3A_547 = arith.constant 14 : i32
      %broadcast_in_dim3A_548 = vector.broadcast %jit3A_547 : i32 to vector<256x128xi32>
      %select_n3A_549 = arith.select %lt3A_545, %broadcast_in_dim3A_548, %select_n3A_538 : vector<256x128xi1>, vector<256x128xi32>
      %slice3A_550 = vector.extract_strided_slice %get3A_30 {offsets = [0, 6016], sizes = [1, 128], strides = [1, 1]} : vector<1x8192xf32> to vector<1x128xf32>
      %add3A_551 = vector.broadcast %get3A_27 : vector<256x1xf32> to vector<256x128xf32>
      %add3A_552 = vector.broadcast %slice3A_550 : vector<1x128xf32> to vector<256x128xf32>
      %add3A_553 = arith.addf %add3A_551, %add3A_552 : vector<256x128xf32>
      %slice3A_554 = vector.extract_strided_slice %dot_general3A_24 {offsets = [0, 6016], sizes = [256, 128], strides = [1, 1]} : vector<256x8192xf32> to vector<256x128xf32>
      %sub3A_555 = arith.subf %add3A_553, %slice3A_554 : vector<256x128xf32>
      %lt3A_556 = arith.cmpf olt, %sub3A_555, %select_n3A_546 : vector<256x128xf32>
      %select_n3A_557 = arith.select %lt3A_556, %sub3A_555, %select_n3A_546 : vector<256x128xi1>, vector<256x128xf32>
      %jit3A_558 = arith.constant 15 : i32
      %broadcast_in_dim3A_559 = vector.broadcast %jit3A_558 : i32 to vector<256x128xi32>
      %select_n3A_560 = arith.select %lt3A_556, %broadcast_in_dim3A_559, %select_n3A_549 : vector<256x128xi1>, vector<256x128xi32>
      %slice3A_561 = vector.extract_strided_slice %get3A_30 {offsets = [0, 6144], sizes = [1, 128], strides = [1, 1]} : vector<1x8192xf32> to vector<1x128xf32>
      %add3A_562 = vector.broadcast %get3A_27 : vector<256x1xf32> to vector<256x128xf32>
      %add3A_563 = vector.broadcast %slice3A_561 : vector<1x128xf32> to vector<256x128xf32>
      %add3A_564 = arith.addf %add3A_562, %add3A_563 : vector<256x128xf32>
      %slice3A_565 = vector.extract_strided_slice %dot_general3A_24 {offsets = [0, 6144], sizes = [256, 128], strides = [1, 1]} : vector<256x8192xf32> to vector<256x128xf32>
      %sub3A_566 = arith.subf %add3A_564, %slice3A_565 : vector<256x128xf32>
      %lt3A_567 = arith.cmpf olt, %sub3A_566, %select_n3A_557 : vector<256x128xf32>
      %select_n3A_568 = arith.select %lt3A_567, %sub3A_566, %select_n3A_557 : vector<256x128xi1>, vector<256x128xf32>
      %jit3A_569 = arith.constant 16 : i32
      %broadcast_in_dim3A_570 = vector.broadcast %jit3A_569 : i32 to vector<256x128xi32>
      %select_n3A_571 = arith.select %lt3A_567, %broadcast_in_dim3A_570, %select_n3A_560 : vector<256x128xi1>, vector<256x128xi32>
      %slice3A_572 = vector.extract_strided_slice %get3A_30 {offsets = [0, 6272], sizes = [1, 128], strides = [1, 1]} : vector<1x8192xf32> to vector<1x128xf32>
      %add3A_573 = vector.broadcast %get3A_27 : vector<256x1xf32> to vector<256x128xf32>
      %add3A_574 = vector.broadcast %slice3A_572 : vector<1x128xf32> to vector<256x128xf32>
      %add3A_575 = arith.addf %add3A_573, %add3A_574 : vector<256x128xf32>
      %slice3A_576 = vector.extract_strided_slice %dot_general3A_24 {offsets = [0, 6272], sizes = [256, 128], strides = [1, 1]} : vector<256x8192xf32> to vector<256x128xf32>
      %sub3A_577 = arith.subf %add3A_575, %slice3A_576 : vector<256x128xf32>
      %lt3A_578 = arith.cmpf olt, %sub3A_577, %select_n3A_568 : vector<256x128xf32>
      %select_n3A_579 = arith.select %lt3A_578, %sub3A_577, %select_n3A_568 : vector<256x128xi1>, vector<256x128xf32>
      %jit3A_580 = arith.constant 17 : i32
      %broadcast_in_dim3A_581 = vector.broadcast %jit3A_580 : i32 to vector<256x128xi32>
      %select_n3A_582 = arith.select %lt3A_578, %broadcast_in_dim3A_581, %select_n3A_571 : vector<256x128xi1>, vector<256x128xi32>
      %slice3A_583 = vector.extract_strided_slice %get3A_30 {offsets = [0, 6400], sizes = [1, 128], strides = [1, 1]} : vector<1x8192xf32> to vector<1x128xf32>
      %add3A_584 = vector.broadcast %get3A_27 : vector<256x1xf32> to vector<256x128xf32>
      %add3A_585 = vector.broadcast %slice3A_583 : vector<1x128xf32> to vector<256x128xf32>
      %add3A_586 = arith.addf %add3A_584, %add3A_585 : vector<256x128xf32>
      %slice3A_587 = vector.extract_strided_slice %dot_general3A_24 {offsets = [0, 6400], sizes = [256, 128], strides = [1, 1]} : vector<256x8192xf32> to vector<256x128xf32>
      %sub3A_588 = arith.subf %add3A_586, %slice3A_587 : vector<256x128xf32>
      %lt3A_589 = arith.cmpf olt, %sub3A_588, %select_n3A_579 : vector<256x128xf32>
      %select_n3A_590 = arith.select %lt3A_589, %sub3A_588, %select_n3A_579 : vector<256x128xi1>, vector<256x128xf32>
      %jit3A_591 = arith.constant 18 : i32
      %broadcast_in_dim3A_592 = vector.broadcast %jit3A_591 : i32 to vector<256x128xi32>
      %select_n3A_593 = arith.select %lt3A_589, %broadcast_in_dim3A_592, %select_n3A_582 : vector<256x128xi1>, vector<256x128xi32>
      %slice3A_594 = vector.extract_strided_slice %get3A_30 {offsets = [0, 6528], sizes = [1, 128], strides = [1, 1]} : vector<1x8192xf32> to vector<1x128xf32>
      %add3A_595 = vector.broadcast %get3A_27 : vector<256x1xf32> to vector<256x128xf32>
      %add3A_596 = vector.broadcast %slice3A_594 : vector<1x128xf32> to vector<256x128xf32>
      %add3A_597 = arith.addf %add3A_595, %add3A_596 : vector<256x128xf32>
      %slice3A_598 = vector.extract_strided_slice %dot_general3A_24 {offsets = [0, 6528], sizes = [256, 128], strides = [1, 1]} : vector<256x8192xf32> to vector<256x128xf32>
      %sub3A_599 = arith.subf %add3A_597, %slice3A_598 : vector<256x128xf32>
      %lt3A_600 = arith.cmpf olt, %sub3A_599, %select_n3A_590 : vector<256x128xf32>
      %select_n3A_601 = arith.select %lt3A_600, %sub3A_599, %select_n3A_590 : vector<256x128xi1>, vector<256x128xf32>
      %jit3A_602 = arith.constant 19 : i32
      %broadcast_in_dim3A_603 = vector.broadcast %jit3A_602 : i32 to vector<256x128xi32>
      %select_n3A_604 = arith.select %lt3A_600, %broadcast_in_dim3A_603, %select_n3A_593 : vector<256x128xi1>, vector<256x128xi32>
      %slice3A_605 = vector.extract_strided_slice %get3A_30 {offsets = [0, 6656], sizes = [1, 128], strides = [1, 1]} : vector<1x8192xf32> to vector<1x128xf32>
      %add3A_606 = vector.broadcast %get3A_27 : vector<256x1xf32> to vector<256x128xf32>
      %add3A_607 = vector.broadcast %slice3A_605 : vector<1x128xf32> to vector<256x128xf32>
      %add3A_608 = arith.addf %add3A_606, %add3A_607 : vector<256x128xf32>
      %slice3A_609 = vector.extract_strided_slice %dot_general3A_24 {offsets = [0, 6656], sizes = [256, 128], strides = [1, 1]} : vector<256x8192xf32> to vector<256x128xf32>
      %sub3A_610 = arith.subf %add3A_608, %slice3A_609 : vector<256x128xf32>
      %lt3A_611 = arith.cmpf olt, %sub3A_610, %select_n3A_601 : vector<256x128xf32>
      %select_n3A_612 = arith.select %lt3A_611, %sub3A_610, %select_n3A_601 : vector<256x128xi1>, vector<256x128xf32>
      %jit3A_613 = arith.constant 20 : i32
      %broadcast_in_dim3A_614 = vector.broadcast %jit3A_613 : i32 to vector<256x128xi32>
      %select_n3A_615 = arith.select %lt3A_611, %broadcast_in_dim3A_614, %select_n3A_604 : vector<256x128xi1>, vector<256x128xi32>
      %slice3A_616 = vector.extract_strided_slice %get3A_30 {offsets = [0, 6784], sizes = [1, 128], strides = [1, 1]} : vector<1x8192xf32> to vector<1x128xf32>
      %add3A_617 = vector.broadcast %get3A_27 : vector<256x1xf32> to vector<256x128xf32>
      %add3A_618 = vector.broadcast %slice3A_616 : vector<1x128xf32> to vector<256x128xf32>
      %add3A_619 = arith.addf %add3A_617, %add3A_618 : vector<256x128xf32>
      %slice3A_620 = vector.extract_strided_slice %dot_general3A_24 {offsets = [0, 6784], sizes = [256, 128], strides = [1, 1]} : vector<256x8192xf32> to vector<256x128xf32>
      %sub3A_621 = arith.subf %add3A_619, %slice3A_620 : vector<256x128xf32>
      %lt3A_622 = arith.cmpf olt, %sub3A_621, %select_n3A_612 : vector<256x128xf32>
      %select_n3A_623 = arith.select %lt3A_622, %sub3A_621, %select_n3A_612 : vector<256x128xi1>, vector<256x128xf32>
      %jit3A_624 = arith.constant 21 : i32
      %broadcast_in_dim3A_625 = vector.broadcast %jit3A_624 : i32 to vector<256x128xi32>
      %select_n3A_626 = arith.select %lt3A_622, %broadcast_in_dim3A_625, %select_n3A_615 : vector<256x128xi1>, vector<256x128xi32>
      %slice3A_627 = vector.extract_strided_slice %get3A_30 {offsets = [0, 6912], sizes = [1, 128], strides = [1, 1]} : vector<1x8192xf32> to vector<1x128xf32>
      %add3A_628 = vector.broadcast %get3A_27 : vector<256x1xf32> to vector<256x128xf32>
      %add3A_629 = vector.broadcast %slice3A_627 : vector<1x128xf32> to vector<256x128xf32>
      %add3A_630 = arith.addf %add3A_628, %add3A_629 : vector<256x128xf32>
      %slice3A_631 = vector.extract_strided_slice %dot_general3A_24 {offsets = [0, 6912], sizes = [256, 128], strides = [1, 1]} : vector<256x8192xf32> to vector<256x128xf32>
      %sub3A_632 = arith.subf %add3A_630, %slice3A_631 : vector<256x128xf32>
      %lt3A_633 = arith.cmpf olt, %sub3A_632, %select_n3A_623 : vector<256x128xf32>
      %select_n3A_634 = arith.select %lt3A_633, %sub3A_632, %select_n3A_623 : vector<256x128xi1>, vector<256x128xf32>
      %jit3A_635 = arith.constant 22 : i32
      %broadcast_in_dim3A_636 = vector.broadcast %jit3A_635 : i32 to vector<256x128xi32>
      %select_n3A_637 = arith.select %lt3A_633, %broadcast_in_dim3A_636, %select_n3A_626 : vector<256x128xi1>, vector<256x128xi32>
      %slice3A_638 = vector.extract_strided_slice %get3A_30 {offsets = [0, 7040], sizes = [1, 128], strides = [1, 1]} : vector<1x8192xf32> to vector<1x128xf32>
      %add3A_639 = vector.broadcast %get3A_27 : vector<256x1xf32> to vector<256x128xf32>
      %add3A_640 = vector.broadcast %slice3A_638 : vector<1x128xf32> to vector<256x128xf32>
      %add3A_641 = arith.addf %add3A_639, %add3A_640 : vector<256x128xf32>
      %slice3A_642 = vector.extract_strided_slice %dot_general3A_24 {offsets = [0, 7040], sizes = [256, 128], strides = [1, 1]} : vector<256x8192xf32> to vector<256x128xf32>
      %sub3A_643 = arith.subf %add3A_641, %slice3A_642 : vector<256x128xf32>
      %lt3A_644 = arith.cmpf olt, %sub3A_643, %select_n3A_634 : vector<256x128xf32>
      %select_n3A_645 = arith.select %lt3A_644, %sub3A_643, %select_n3A_634 : vector<256x128xi1>, vector<256x128xf32>
      %jit3A_646 = arith.constant 23 : i32
      %broadcast_in_dim3A_647 = vector.broadcast %jit3A_646 : i32 to vector<256x128xi32>
      %select_n3A_648 = arith.select %lt3A_644, %broadcast_in_dim3A_647, %select_n3A_637 : vector<256x128xi1>, vector<256x128xi32>
      %slice3A_649 = vector.extract_strided_slice %get3A_30 {offsets = [0, 7168], sizes = [1, 128], strides = [1, 1]} : vector<1x8192xf32> to vector<1x128xf32>
      %add3A_650 = vector.broadcast %get3A_27 : vector<256x1xf32> to vector<256x128xf32>
      %add3A_651 = vector.broadcast %slice3A_649 : vector<1x128xf32> to vector<256x128xf32>
      %add3A_652 = arith.addf %add3A_650, %add3A_651 : vector<256x128xf32>
      %slice3A_653 = vector.extract_strided_slice %dot_general3A_24 {offsets = [0, 7168], sizes = [256, 128], strides = [1, 1]} : vector<256x8192xf32> to vector<256x128xf32>
      %sub3A_654 = arith.subf %add3A_652, %slice3A_653 : vector<256x128xf32>
      %lt3A_655 = arith.cmpf olt, %sub3A_654, %select_n3A_645 : vector<256x128xf32>
      %select_n3A_656 = arith.select %lt3A_655, %sub3A_654, %select_n3A_645 : vector<256x128xi1>, vector<256x128xf32>
      %jit3A_657 = arith.constant 24 : i32
      %broadcast_in_dim3A_658 = vector.broadcast %jit3A_657 : i32 to vector<256x128xi32>
      %select_n3A_659 = arith.select %lt3A_655, %broadcast_in_dim3A_658, %select_n3A_648 : vector<256x128xi1>, vector<256x128xi32>
      %slice3A_660 = vector.extract_strided_slice %get3A_30 {offsets = [0, 7296], sizes = [1, 128], strides = [1, 1]} : vector<1x8192xf32> to vector<1x128xf32>
      %add3A_661 = vector.broadcast %get3A_27 : vector<256x1xf32> to vector<256x128xf32>
      %add3A_662 = vector.broadcast %slice3A_660 : vector<1x128xf32> to vector<256x128xf32>
      %add3A_663 = arith.addf %add3A_661, %add3A_662 : vector<256x128xf32>
      %slice3A_664 = vector.extract_strided_slice %dot_general3A_24 {offsets = [0, 7296], sizes = [256, 128], strides = [1, 1]} : vector<256x8192xf32> to vector<256x128xf32>
      %sub3A_665 = arith.subf %add3A_663, %slice3A_664 : vector<256x128xf32>
      %lt3A_666 = arith.cmpf olt, %sub3A_665, %select_n3A_656 : vector<256x128xf32>
      %select_n3A_667 = arith.select %lt3A_666, %sub3A_665, %select_n3A_656 : vector<256x128xi1>, vector<256x128xf32>
      %jit3A_668 = arith.constant 25 : i32
      %broadcast_in_dim3A_669 = vector.broadcast %jit3A_668 : i32 to vector<256x128xi32>
      %select_n3A_670 = arith.select %lt3A_666, %broadcast_in_dim3A_669, %select_n3A_659 : vector<256x128xi1>, vector<256x128xi32>
      %slice3A_671 = vector.extract_strided_slice %get3A_30 {offsets = [0, 7424], sizes = [1, 128], strides = [1, 1]} : vector<1x8192xf32> to vector<1x128xf32>
      %add3A_672 = vector.broadcast %get3A_27 : vector<256x1xf32> to vector<256x128xf32>
      %add3A_673 = vector.broadcast %slice3A_671 : vector<1x128xf32> to vector<256x128xf32>
      %add3A_674 = arith.addf %add3A_672, %add3A_673 : vector<256x128xf32>
      %slice3A_675 = vector.extract_strided_slice %dot_general3A_24 {offsets = [0, 7424], sizes = [256, 128], strides = [1, 1]} : vector<256x8192xf32> to vector<256x128xf32>
      %sub3A_676 = arith.subf %add3A_674, %slice3A_675 : vector<256x128xf32>
      %lt3A_677 = arith.cmpf olt, %sub3A_676, %select_n3A_667 : vector<256x128xf32>
      %select_n3A_678 = arith.select %lt3A_677, %sub3A_676, %select_n3A_667 : vector<256x128xi1>, vector<256x128xf32>
      %jit3A_679 = arith.constant 26 : i32
      %broadcast_in_dim3A_680 = vector.broadcast %jit3A_679 : i32 to vector<256x128xi32>
      %select_n3A_681 = arith.select %lt3A_677, %broadcast_in_dim3A_680, %select_n3A_670 : vector<256x128xi1>, vector<256x128xi32>
      %slice3A_682 = vector.extract_strided_slice %get3A_30 {offsets = [0, 7552], sizes = [1, 128], strides = [1, 1]} : vector<1x8192xf32> to vector<1x128xf32>
      %add3A_683 = vector.broadcast %get3A_27 : vector<256x1xf32> to vector<256x128xf32>
      %add3A_684 = vector.broadcast %slice3A_682 : vector<1x128xf32> to vector<256x128xf32>
      %add3A_685 = arith.addf %add3A_683, %add3A_684 : vector<256x128xf32>
      %slice3A_686 = vector.extract_strided_slice %dot_general3A_24 {offsets = [0, 7552], sizes = [256, 128], strides = [1, 1]} : vector<256x8192xf32> to vector<256x128xf32>
      %sub3A_687 = arith.subf %add3A_685, %slice3A_686 : vector<256x128xf32>
      %lt3A_688 = arith.cmpf olt, %sub3A_687, %select_n3A_678 : vector<256x128xf32>
      %select_n3A_689 = arith.select %lt3A_688, %sub3A_687, %select_n3A_678 : vector<256x128xi1>, vector<256x128xf32>
      %jit3A_690 = arith.constant 27 : i32
      %broadcast_in_dim3A_691 = vector.broadcast %jit3A_690 : i32 to vector<256x128xi32>
      %select_n3A_692 = arith.select %lt3A_688, %broadcast_in_dim3A_691, %select_n3A_681 : vector<256x128xi1>, vector<256x128xi32>
      %slice3A_693 = vector.extract_strided_slice %get3A_30 {offsets = [0, 7680], sizes = [1, 128], strides = [1, 1]} : vector<1x8192xf32> to vector<1x128xf32>
      %add3A_694 = vector.broadcast %get3A_27 : vector<256x1xf32> to vector<256x128xf32>
      %add3A_695 = vector.broadcast %slice3A_693 : vector<1x128xf32> to vector<256x128xf32>
      %add3A_696 = arith.addf %add3A_694, %add3A_695 : vector<256x128xf32>
      %slice3A_697 = vector.extract_strided_slice %dot_general3A_24 {offsets = [0, 7680], sizes = [256, 128], strides = [1, 1]} : vector<256x8192xf32> to vector<256x128xf32>
      %sub3A_698 = arith.subf %add3A_696, %slice3A_697 : vector<256x128xf32>
      %lt3A_699 = arith.cmpf olt, %sub3A_698, %select_n3A_689 : vector<256x128xf32>
      %select_n3A_700 = arith.select %lt3A_699, %sub3A_698, %select_n3A_689 : vector<256x128xi1>, vector<256x128xf32>
      %jit3A_701 = arith.constant 28 : i32
      %broadcast_in_dim3A_702 = vector.broadcast %jit3A_701 : i32 to vector<256x128xi32>
      %select_n3A_703 = arith.select %lt3A_699, %broadcast_in_dim3A_702, %select_n3A_692 : vector<256x128xi1>, vector<256x128xi32>
      %slice3A_704 = vector.extract_strided_slice %get3A_30 {offsets = [0, 7808], sizes = [1, 128], strides = [1, 1]} : vector<1x8192xf32> to vector<1x128xf32>
      %add3A_705 = vector.broadcast %get3A_27 : vector<256x1xf32> to vector<256x128xf32>
      %add3A_706 = vector.broadcast %slice3A_704 : vector<1x128xf32> to vector<256x128xf32>
      %add3A_707 = arith.addf %add3A_705, %add3A_706 : vector<256x128xf32>
      %slice3A_708 = vector.extract_strided_slice %dot_general3A_24 {offsets = [0, 7808], sizes = [256, 128], strides = [1, 1]} : vector<256x8192xf32> to vector<256x128xf32>
      %sub3A_709 = arith.subf %add3A_707, %slice3A_708 : vector<256x128xf32>
      %lt3A_710 = arith.cmpf olt, %sub3A_709, %select_n3A_700 : vector<256x128xf32>
      %select_n3A_711 = arith.select %lt3A_710, %sub3A_709, %select_n3A_700 : vector<256x128xi1>, vector<256x128xf32>
      %jit3A_712 = arith.constant 29 : i32
      %broadcast_in_dim3A_713 = vector.broadcast %jit3A_712 : i32 to vector<256x128xi32>
      %select_n3A_714 = arith.select %lt3A_710, %broadcast_in_dim3A_713, %select_n3A_703 : vector<256x128xi1>, vector<256x128xi32>
      %slice3A_715 = vector.extract_strided_slice %get3A_30 {offsets = [0, 7936], sizes = [1, 128], strides = [1, 1]} : vector<1x8192xf32> to vector<1x128xf32>
      %add3A_716 = vector.broadcast %get3A_27 : vector<256x1xf32> to vector<256x128xf32>
      %add3A_717 = vector.broadcast %slice3A_715 : vector<1x128xf32> to vector<256x128xf32>
      %add3A_718 = arith.addf %add3A_716, %add3A_717 : vector<256x128xf32>
      %slice3A_719 = vector.extract_strided_slice %dot_general3A_24 {offsets = [0, 7936], sizes = [256, 128], strides = [1, 1]} : vector<256x8192xf32> to vector<256x128xf32>
      %sub3A_720 = arith.subf %add3A_718, %slice3A_719 : vector<256x128xf32>
      %lt3A_721 = arith.cmpf olt, %sub3A_720, %select_n3A_711 : vector<256x128xf32>
      %select_n3A_722 = arith.select %lt3A_721, %sub3A_720, %select_n3A_711 : vector<256x128xi1>, vector<256x128xf32>
      %jit3A_723 = arith.constant 30 : i32
      %broadcast_in_dim3A_724 = vector.broadcast %jit3A_723 : i32 to vector<256x128xi32>
      %select_n3A_725 = arith.select %lt3A_721, %broadcast_in_dim3A_724, %select_n3A_714 : vector<256x128xi1>, vector<256x128xi32>
      %slice3A_726 = vector.extract_strided_slice %get3A_30 {offsets = [0, 8064], sizes = [1, 128], strides = [1, 1]} : vector<1x8192xf32> to vector<1x128xf32>
      %add3A_727 = vector.broadcast %get3A_27 : vector<256x1xf32> to vector<256x128xf32>
      %add3A_728 = vector.broadcast %slice3A_726 : vector<1x128xf32> to vector<256x128xf32>
      %add3A_729 = arith.addf %add3A_727, %add3A_728 : vector<256x128xf32>
      %slice3A_730 = vector.extract_strided_slice %dot_general3A_24 {offsets = [0, 8064], sizes = [256, 128], strides = [1, 1]} : vector<256x8192xf32> to vector<256x128xf32>
      %sub3A_731 = arith.subf %add3A_729, %slice3A_730 : vector<256x128xf32>
      %lt3A_732 = arith.cmpf olt, %sub3A_731, %select_n3A_722 : vector<256x128xf32>
      %select_n3A_733 = arith.select %lt3A_732, %sub3A_731, %select_n3A_722 : vector<256x128xi1>, vector<256x128xf32>
      %jit3A_734 = arith.constant 31 : i32
      %broadcast_in_dim3A_735 = vector.broadcast %jit3A_734 : i32 to vector<256x128xi32>
      %select_n3A_736 = arith.select %lt3A_732, %broadcast_in_dim3A_735, %select_n3A_725 : vector<256x128xi1>, vector<256x128xi32>
      %reduce_min3A_737 = arith.constant dense<0x7F800000> : vector<256xf32>
      %reduce_min3A_738 = vector.multi_reduction <minimumf>, %select_n3A_733, %reduce_min3A_737 [1] : vector<256x128xf32> to vector<256xf32>
      %broadcast_in_dim3A_739 = vector.shape_cast %reduce_min3A_738 : vector<256xf32> to vector<256x1xf32>
      %eq3A_740 = vector.broadcast %broadcast_in_dim3A_739 : vector<256x1xf32> to vector<256x128xf32>
      %eq3A_741 = arith.cmpf oeq, %select_n3A_733, %eq3A_740 : vector<256x128xf32>
      %mul3A_742 = arith.constant 128 : i32
      %mul3A_743 = vector.broadcast %mul3A_742 : i32 to vector<256x128xi32>
      %mul3A_744 = arith.muli %select_n3A_736, %mul3A_743 : vector<256x128xi32>
      %add3A_745 = arith.addi %mul3A_744, %iota3A : vector<256x128xi32>
      %jit3A_746 = arith.constant 1073741824 : i32
      %broadcast_in_dim3A_747 = vector.broadcast %jit3A_746 : i32 to vector<256x128xi32>
      %select_n3A_748 = arith.select %eq3A_741, %add3A_745, %broadcast_in_dim3A_747 : vector<256x128xi1>, vector<256x128xi32>
      %reduce_min3A_749 = arith.constant dense<2147483647> : vector<256xi32>
      %reduce_min3A_750 = vector.multi_reduction <minsi>, %select_n3A_748, %reduce_min3A_749 [1] : vector<256x128xi32> to vector<256xi32>
      %broadcast_in_dim3A_751 = vector.shape_cast %reduce_min3A_750 : vector<256xi32> to vector<256x1xi32>
      %convert_element_type3A_752 = arith.truncf %broadcast_in_dim3A_375 : vector<256x1xf32> to vector<256x1xbf16>
      %convert_element_type3A_753 = arith.extf %convert_element_type3A_752 : vector<256x1xbf16> to vector<256x1xf32>
      %lt3A_754 = arith.cmpf olt, %broadcast_in_dim3A_739, %convert_element_type3A_753 : vector<256x1xf32>
      %add3A_755 = arith.constant 4096 : i32
      %add3A_756 = vector.broadcast %add3A_755 : i32 to vector<256x1xi32>
      %add3A_757 = arith.addi %broadcast_in_dim3A_751, %add3A_756 : vector<256x1xi32>
      %select_n3A_758 = arith.select %lt3A_754, %add3A_757, %broadcast_in_dim3A_387 : vector<256x1xi1>, vector<256x1xi32>
      %swap3A = arith.constant 0 : index
      %swap3A_759 = arith.constant 0 : index
      %swap3A_760 = vector.load %arg5[%swap3A, %swap3A_759] : memref<256x1xi32, #tpu.memory_space<vmem>>, vector<256x1xi32>
      tpu.vector_store %arg5[%swap3A, %swap3A_759], %select_n3A_758 {strides = array<i32>} : memref<256x1xi32, #tpu.memory_space<vmem>>, vector<256x1xi32>,
    } else {
    }
    %eq3A = arith.constant 1 : i32
    %eq3A_2 = arith.cmpi eq, %arg0, %eq3A : i32
    %convert_element_type3A_3 = arith.extui %eq3A_2 : i1 to i32
    %cond3A_4 = arith.constant 0 : i32
    %cond3A_5 = arith.cmpi ne, %convert_element_type3A_3, %cond3A_4 : i32
    scf.if %cond3A_5 {
      %broadcast_in_dim3A = arith.constant 0.000000e+00 : f32
      %broadcast_in_dim3A_15 = vector.broadcast %broadcast_in_dim3A : f32 to vector<1x8192xf32>
      %swap3A = arith.constant 0 : index
      %swap3A_16 = arith.constant 0 : index
      %swap3A_17 = vector.load %arg7[%swap3A, %swap3A_16] : memref<1x8192xf32, #tpu.memory_space<vmem>>, vector<1x8192xf32>
      tpu.vector_store %arg7[%swap3A, %swap3A_16], %broadcast_in_dim3A_15 {strides = array<i32>} : memref<1x8192xf32, #tpu.memory_space<vmem>>, vector<1x8192xf32>,
    } else {
    }
    %gt3A = arith.constant 0 : i32
    %gt3A_6 = arith.cmpi sgt, %arg0, %gt3A : i32
    %convert_element_type3A_7 = arith.extui %gt3A_6 : i1 to i32
    %cond3A_8 = arith.constant 0 : i32
    %cond3A_9 = arith.cmpi ne, %convert_element_type3A_7, %cond3A_8 : i32
    scf.if %cond3A_9 {
      %get3A = arith.constant 0 : index
      %get3A_15 = arith.constant 0 : index
      %get3A_16 = vector.load %arg8[%get3A, %get3A_15] : memref<256x1xi32, #tpu.memory_space<vmem>>, vector<256x1xi32>
      %iota3A = tpu.iota {dimensions = array<i32: 1>} : vector<256x2048xi32>
      %add3A = arith.constant 0 : i32
      %add3A_17 = vector.broadcast %add3A : i32 to vector<256x2048xi32>
      %add3A_18 = arith.addi %iota3A, %add3A_17 : vector<256x2048xi32>
      %eq3A_19 = vector.broadcast %get3A_16 : vector<256x1xi32> to vector<256x2048xi32>
      %eq3A_20 = arith.cmpi eq, %eq3A_19, %add3A_18 : vector<256x2048xi32>
      %convert_element_type3A_21 = arith.extui %eq3A_20 : vector<256x2048xi1> to vector<256x2048xi32>
      %convert_element_type3A_22 = arith.sitofp %convert_element_type3A_21 : vector<256x2048xi32> to vector<256x2048xf32>
      %swap3A = arith.constant 0 : index
      %swap3A_23 = arith.constant 0 : index
      %swap3A_24 = vector.load %arg6[%swap3A, %swap3A_23] : memref<256x8192xf32, #tpu.memory_space<vmem>>, vector<256x2048xf32>
      tpu.vector_store %arg6[%swap3A, %swap3A_23], %convert_element_type3A_22 {strides = array<i32>} : memref<256x8192xf32, #tpu.memory_space<vmem>>, vector<256x2048xf32>,
      %get3A_25 = arith.constant 0 : index
      %get3A_26 = arith.constant 0 : index
      %get3A_27 = vector.load %arg7[%get3A_25, %get3A_26] : memref<1x8192xf32, #tpu.memory_space<vmem>>, vector<1x2048xf32>
      %reduce_sum3A = arith.constant dense<0.000000e+00> : vector<2048xf32>
      %reduce_sum3A_28 = vector.multi_reduction <add>, %convert_element_type3A_22, %reduce_sum3A [0] : vector<256x2048xf32> to vector<2048xf32>
      %broadcast_in_dim3A = vector.shape_cast %reduce_sum3A_28 : vector<2048xf32> to vector<1x2048xf32>
      %add3A_29 = arith.addf %get3A_27, %broadcast_in_dim3A : vector<1x2048xf32>
      %swap3A_30 = arith.constant 0 : index
      %swap3A_31 = arith.constant 0 : index
      %swap3A_32 = vector.load %arg7[%swap3A_30, %swap3A_31] : memref<1x8192xf32, #tpu.memory_space<vmem>>, vector<1x2048xf32>
      tpu.vector_store %arg7[%swap3A_30, %swap3A_31], %add3A_29 {strides = array<i32>} : memref<1x8192xf32, #tpu.memory_space<vmem>>, vector<1x2048xf32>,
      %iota3A_33 = tpu.iota {dimensions = array<i32: 1>} : vector<256x2048xi32>
      %add3A_34 = arith.constant 2048 : i32
      %add3A_35 = vector.broadcast %add3A_34 : i32 to vector<256x2048xi32>
      %add3A_36 = arith.addi %iota3A_33, %add3A_35 : vector<256x2048xi32>
      %eq3A_37 = vector.broadcast %get3A_16 : vector<256x1xi32> to vector<256x2048xi32>
      %eq3A_38 = arith.cmpi eq, %eq3A_37, %add3A_36 : vector<256x2048xi32>
      %convert_element_type3A_39 = arith.extui %eq3A_38 : vector<256x2048xi1> to vector<256x2048xi32>
      %convert_element_type3A_40 = arith.sitofp %convert_element_type3A_39 : vector<256x2048xi32> to vector<256x2048xf32>
      %swap3A_41 = arith.constant 0 : index
      %swap3A_42 = arith.constant 2048 : index
      %swap3A_43 = vector.load %arg6[%swap3A_41, %swap3A_42] : memref<256x8192xf32, #tpu.memory_space<vmem>>, vector<256x2048xf32>
      tpu.vector_store %arg6[%swap3A_41, %swap3A_42], %convert_element_type3A_40 {strides = array<i32>} : memref<256x8192xf32, #tpu.memory_space<vmem>>, vector<256x2048xf32>,
      %get3A_44 = arith.constant 0 : index
      %get3A_45 = arith.constant 2048 : index
      %get3A_46 = vector.load %arg7[%get3A_44, %get3A_45] : memref<1x8192xf32, #tpu.memory_space<vmem>>, vector<1x2048xf32>
      %reduce_sum3A_47 = arith.constant dense<0.000000e+00> : vector<2048xf32>
      %reduce_sum3A_48 = vector.multi_reduction <add>, %convert_element_type3A_40, %reduce_sum3A_47 [0] : vector<256x2048xf32> to vector<2048xf32>
      %broadcast_in_dim3A_49 = vector.shape_cast %reduce_sum3A_48 : vector<2048xf32> to vector<1x2048xf32>
      %add3A_50 = arith.addf %get3A_46, %broadcast_in_dim3A_49 : vector<1x2048xf32>
      %swap3A_51 = arith.constant 0 : index
      %swap3A_52 = arith.constant 2048 : index
      %swap3A_53 = vector.load %arg7[%swap3A_51, %swap3A_52] : memref<1x8192xf32, #tpu.memory_space<vmem>>, vector<1x2048xf32>
      tpu.vector_store %arg7[%swap3A_51, %swap3A_52], %add3A_50 {strides = array<i32>} : memref<1x8192xf32, #tpu.memory_space<vmem>>, vector<1x2048xf32>,
      %iota3A_54 = tpu.iota {dimensions = array<i32: 1>} : vector<256x2048xi32>
      %add3A_55 = arith.constant 4096 : i32
      %add3A_56 = vector.broadcast %add3A_55 : i32 to vector<256x2048xi32>
      %add3A_57 = arith.addi %iota3A_54, %add3A_56 : vector<256x2048xi32>
      %eq3A_58 = vector.broadcast %get3A_16 : vector<256x1xi32> to vector<256x2048xi32>
      %eq3A_59 = arith.cmpi eq, %eq3A_58, %add3A_57 : vector<256x2048xi32>
      %convert_element_type3A_60 = arith.extui %eq3A_59 : vector<256x2048xi1> to vector<256x2048xi32>
      %convert_element_type3A_61 = arith.sitofp %convert_element_type3A_60 : vector<256x2048xi32> to vector<256x2048xf32>
      %swap3A_62 = arith.constant 0 : index
      %swap3A_63 = arith.constant 4096 : index
      %swap3A_64 = vector.load %arg6[%swap3A_62, %swap3A_63] : memref<256x8192xf32, #tpu.memory_space<vmem>>, vector<256x2048xf32>
      tpu.vector_store %arg6[%swap3A_62, %swap3A_63], %convert_element_type3A_61 {strides = array<i32>} : memref<256x8192xf32, #tpu.memory_space<vmem>>, vector<256x2048xf32>,
      %get3A_65 = arith.constant 0 : index
      %get3A_66 = arith.constant 4096 : index
      %get3A_67 = vector.load %arg7[%get3A_65, %get3A_66] : memref<1x8192xf32, #tpu.memory_space<vmem>>, vector<1x2048xf32>
      %reduce_sum3A_68 = arith.constant dense<0.000000e+00> : vector<2048xf32>
      %reduce_sum3A_69 = vector.multi_reduction <add>, %convert_element_type3A_61, %reduce_sum3A_68 [0] : vector<256x2048xf32> to vector<2048xf32>
      %broadcast_in_dim3A_70 = vector.shape_cast %reduce_sum3A_69 : vector<2048xf32> to vector<1x2048xf32>
      %add3A_71 = arith.addf %get3A_67, %broadcast_in_dim3A_70 : vector<1x2048xf32>
      %swap3A_72 = arith.constant 0 : index
      %swap3A_73 = arith.constant 4096 : index
      %swap3A_74 = vector.load %arg7[%swap3A_72, %swap3A_73] : memref<1x8192xf32, #tpu.memory_space<vmem>>, vector<1x2048xf32>
      tpu.vector_store %arg7[%swap3A_72, %swap3A_73], %add3A_71 {strides = array<i32>} : memref<1x8192xf32, #tpu.memory_space<vmem>>, vector<1x2048xf32>,
      %iota3A_75 = tpu.iota {dimensions = array<i32: 1>} : vector<256x2048xi32>
      %add3A_76 = arith.constant 6144 : i32
      %add3A_77 = vector.broadcast %add3A_76 : i32 to vector<256x2048xi32>
      %add3A_78 = arith.addi %iota3A_75, %add3A_77 : vector<256x2048xi32>
      %eq3A_79 = vector.broadcast %get3A_16 : vector<256x1xi32> to vector<256x2048xi32>
      %eq3A_80 = arith.cmpi eq, %eq3A_79, %add3A_78 : vector<256x2048xi32>
      %convert_element_type3A_81 = arith.extui %eq3A_80 : vector<256x2048xi1> to vector<256x2048xi32>
      %convert_element_type3A_82 = arith.sitofp %convert_element_type3A_81 : vector<256x2048xi32> to vector<256x2048xf32>
      %swap3A_83 = arith.constant 0 : index
      %swap3A_84 = arith.constant 6144 : index
      %swap3A_85 = vector.load %arg6[%swap3A_83, %swap3A_84] : memref<256x8192xf32, #tpu.memory_space<vmem>>, vector<256x2048xf32>
      tpu.vector_store %arg6[%swap3A_83, %swap3A_84], %convert_element_type3A_82 {strides = array<i32>} : memref<256x8192xf32, #tpu.memory_space<vmem>>, vector<256x2048xf32>,
      %get3A_86 = arith.constant 0 : index
      %get3A_87 = arith.constant 6144 : index
      %get3A_88 = vector.load %arg7[%get3A_86, %get3A_87] : memref<1x8192xf32, #tpu.memory_space<vmem>>, vector<1x2048xf32>
      %reduce_sum3A_89 = arith.constant dense<0.000000e+00> : vector<2048xf32>
      %reduce_sum3A_90 = vector.multi_reduction <add>, %convert_element_type3A_82, %reduce_sum3A_89 [0] : vector<256x2048xf32> to vector<2048xf32>
      %broadcast_in_dim3A_91 = vector.shape_cast %reduce_sum3A_90 : vector<2048xf32> to vector<1x2048xf32>
      %add3A_92 = arith.addf %get3A_88, %broadcast_in_dim3A_91 : vector<1x2048xf32>
      %swap3A_93 = arith.constant 0 : index
      %swap3A_94 = arith.constant 6144 : index
      %swap3A_95 = vector.load %arg7[%swap3A_93, %swap3A_94] : memref<1x8192xf32, #tpu.memory_space<vmem>>, vector<1x2048xf32>
      tpu.vector_store %arg7[%swap3A_93, %swap3A_94], %add3A_92 {strides = array<i32>} : memref<1x8192xf32, #tpu.memory_space<vmem>>, vector<1x2048xf32>,
    } else {
    }
    %lt3A_10 = arith.constant 32 : i32
    %lt3A_11 = arith.cmpi slt, %arg0, %lt3A_10 : i32
    %convert_element_type3A_12 = arith.extui %lt3A_11 : i1 to i32
    %cond3A_13 = arith.constant 0 : i32
    %cond3A_14 = arith.cmpi ne, %convert_element_type3A_12, %cond3A_13 : i32
    scf.if %cond3A_14 {
      %get3A = arith.constant 0 : index
      %get3A_15 = arith.constant 0 : index
      %get3A_16 = vector.load %arg5[%get3A, %get3A_15] : memref<256x1xi32, #tpu.memory_space<vmem>>, vector<256x1xi32>
      %swap3A = arith.constant 0 : index
      %swap3A_17 = arith.constant 0 : index
      %swap3A_18 = vector.load %arg8[%swap3A, %swap3A_17] : memref<256x1xi32, #tpu.memory_space<vmem>>, vector<256x1xi32>
      tpu.vector_store %arg8[%swap3A, %swap3A_17], %get3A_16 {strides = array<i32>} : memref<256x1xi32, #tpu.memory_space<vmem>>, vector<256x1xi32>,
    } else {
    }
    return
  }
  func.func @transform_0(%arg0: i32) -> (i32, i32) {
    %min3A = arith.constant 31 : i32
    %min3A_0 = arith.minsi %arg0, %min3A : i32
    %c0_i32 = arith.constant 0 : i32
    %c0_i32_1 = arith.constant 0 : i32
    return %min3A_0, %c0_i32 : i32, i32
  }
  func.func @transform_1(%arg0: i32) -> (i32, i32) {
    %min3A = arith.constant 31 : i32
    %min3A_0 = arith.minsi %arg0, %min3A : i32
    %c0_i32 = arith.constant 0 : i32
    %c0_i32_1 = arith.constant 0 : i32
    return %min3A_0, %c0_i32 : i32, i32
  }
  func.func @transform_2(%arg0: i32) -> (i32, i32) {
    %c0_i32 = arith.constant 0 : i32
    %c0_i32_0 = arith.constant 0 : i32
    %c0_i32_1 = arith.constant 0 : i32
    return %c0_i32, %c0_i32_0 : i32, i32
  }
  func.func @transform_3(%arg0: i32) -> (i32, i32) {
    %c0_i32 = arith.constant 0 : i32
    %c0_i32_0 = arith.constant 0 : i32
    %c0_i32_1 = arith.constant 0 : i32
    return %c0_i32, %c0_i32_0 : i32, i32
  }
  func.func @transform_4(%arg0: i32) -> (i32, i32) {
    %min3A = arith.constant 31 : i32
    %min3A_0 = arith.minsi %arg0, %min3A : i32
    %c0_i32 = arith.constant 0 : i32
    %c0_i32_1 = arith.constant 0 : i32
    return %min3A_0, %c0_i32 : i32, i32
  }
  func.func @transform_5(%arg0: i32) -> (i32, i32) {
    %max3A = arith.constant 1 : i32
    %max3A_0 = arith.maxsi %arg0, %max3A : i32
    %sub3A = arith.constant 1 : i32
    %sub3A_1 = arith.subi %max3A_0, %sub3A : i32
    %c0_i32 = arith.constant 0 : i32
    %c0_i32_2 = arith.constant 0 : i32
    return %sub3A_1, %c0_i32 : i32, i32
  }
  func.func @transform_6(%arg0: i32) -> (i32, i32) {
    %c0_i32 = arith.constant 0 : i32
    %c0_i32_0 = arith.constant 0 : i32
    %c0_i32_1 = arith.constant 0 : i32
    return %c0_i32, %c0_i32_0 : i32, i32
  }
}

</mosaic_0001>

<sc_bundles>
// kernel: kernel.4.cloned.1.call-start
scs
__scs_entry_jumppad:
0x0: {  	(pc) =	sbr.rel $0x88, $3  }
0x1: {  	(tag) =	ssettag $0x0;
	lr =	simm.s32 $0x1  }
0x2: {  	[smem:$0x3F9F] =	sst lr;
	_ =	strace $0xD0000000  }
0x3: {  	_ = 	snop  }
0x4: {  	_ = 	snop  }
0x5: {  	_ = 	snop  }
0x6: {  	_ = 	snop  }
0x7: {  	_ = 	snop  }
__scs_overlays_trampoline_lowered:
0x8: {  	[smem:$0x3FAE] =	sst s0  }
0x9: {  	[smem:$0x3FAF] =	sst s1  }
0xa: {  	[smem:$0x3FB0] =	sst s2  }
0xb: {  	[smem:$0x3FB1] =	sst s3  }
0xc: {  	[smem:$0x3FB2] =	sst s4  }
0xd: {  	[smem:$0x3FB3] =	sst s5  }
0xe: {  	[smem:$0x3FB4] =	sst s6  }
0xf: {  	[smem:$0x3FB5] =	sst s7  }
0x10: {  	[smem:$0x3FB6] =	sst s8  }
0x11: {  	[smem:$0x3FB7] =	sst s9;
	s0 =	simm.s32 @!p0 $0x0  }
0x12: {  	s1 =	sld [smem:$0x3F9D];
	s0 =	simm.s32 @p0 $0x1  }
0x13: {  	[smem:$0x3FB8] =	sst s0;
	s0 =	simm.s32 @!p1 $0x0  }
0x14: {  	s2 =	sld [smem:$0x3F9C];
	s0 =	simm.s32 @p1 $0x1  }
0x15: {  	[smem:$0x3FB9] =	sst s0;
	s0 =	simm.s32 @!p2 $0x0  }
0x16: {  	s3 =	sld [smem:$0x3FDB];
	s0 =	simm.s32 @p2 $0x1  }
0x17: {  	s4 =	simm.s32 $0x1BF5;
	[smem:$0x3FBB] =	sst s0  }
0x18: {  	s0 =	sld [smem:$0x3F9E];
	_ =	swait.ge [sflag:s4], $0x0  }
0x19: {  	s7 =	sld [smem:$0x3F9F]  }
0x1a: {  	s8 =	sadd.s32 $0xFFFFE003, lr  }
0x1b: {  	s9 =	sadd.s32 $0xFFFFFEF7, lr;
	s5 =	simm.s32 $0xFFFFFFFF;
	p2 =	slt.u32 s8, $0xFFFFF086  }
0x1c: {  	p1 =	slt.u32 s9, $0xF7A;
	s5 =	simm.s32 @!p2 $0x0  }
0x1d: {  	s5 =	simm.s32 @p1 $0x1;
	p0 =	seq.s32 s7, s2  }
0x1e: {  	s7 =	smul.u32 @!p0 $0xF7A, s2;
	p2 =	seq.s32 @!p0 s5, $0x0  }
0x1f: {  	s9 =	smul.u32 $0xF7A, s1;
	s8 =	simm.s32 @!p0 $0x1BF5;
	p2 =	por !p2, p0  }
0x20: {  	[sflag:s8] =	ssyncset.s32 @!p0 $0xFFFFF086;
	s6 =	sadd.s32 @!p0 s3, s7;
	s7 =	simm.s32 @!p0 $0x108  }
0x21: {  	s3 =	sadd.s32 s3, s9;
	s6 =	sadd.s32 @!p0 $0x88, s6;
	s7 =	simm.s32 @p2 $0x1082  }
0x22: {  	[simem:s7], [sflag:s8] =	dma.local @!p0 [hbm:s6], $0xF7A  }
0x23: {  	s9 =	sor.u32 $0xD0000000, s2;
	s6 =	simm.s32 $0x108;
	_ =	swait.ge @!p0 [sflag:s8], $0x0  }
0x24: {  	s3 =	sadd.s32 $0x88, s3;
	s6 =	simm.s32 @!p1 $0x1082;
	[sflag:s4] =	ssyncset.s32 $0xFFFFF086  }
0x25: {  	[simem:s6], [sflag:s4] =	dma.local [hbm:s3], $0xF7A  }
0x26: {  	[smem:$0x3F9F] =	sst s1;
	(tag) =	ssettag s2;
	_ =	strace s9  }
0x27: {  	s1 =	sld [smem:$0x3FAF]  }
0x28: {  	s2 =	sld [smem:$0x3FB0]  }
0x29: {  	s4 =	sld [smem:$0x3FB2]  }
0x2a: {  	p0 =	seq.s32 s5, $0x0;
	s5 =	sld [smem:$0x3FB3]  }
0x2b: {  	s6 =	sld [smem:$0x3FB4]  }
0x2c: {  	s7 =	sld [smem:$0x3FB5]  }
0x2d: {  	s3 =	simm.s32 $0x108;
	s8 =	sld [smem:$0x3FB6]  }
0x2e: {  	s3 =	simm.s32 @!p0 $0x1082;
	s9 =	sld [smem:$0x3FB7]  }
0x2f: {  	lr =	sadd.s32 s0, s3;
	s0 =	sld [smem:$0x3FAE]  }
0x30: {  	s3 =	sld [smem:$0x3FB1]  }
0x31: {  	[smem:$0x3FBA] =	sst s10  }
0x32: {  	s10 =	sld [smem:$0x3FB8];
	_ =	sdelay $0x3  }
0x33: {  	p0 =	seq.s32 s10, $0x1;
	s10 =	sld [smem:$0x3FBA];
	_ =	sdelay $0x3  }
0x34: {  	[smem:$0x3FBA] =	sst s10  }
0x35: {  	s10 =	sld [smem:$0x3FB9];
	_ =	sdelay $0x3  }
0x36: {  	p1 =	seq.s32 s10, $0x1;
	s10 =	sld [smem:$0x3FBA];
	_ =	sdelay $0x3  }
0x37: {  	[smem:$0x3FBA] =	sst s10  }
0x38: {  	s10 =	sld [smem:$0x3FBB]  }
0x39: {  	_ = 	snop;
	(pc) =	sbr.ind lr, $3  }
0x3a: {  	_ = 	snop  }
0x3b: {  	_ = 	snop  }
0x3c: {  	p2 =	seq.s32 s10, $0x1;
	s10 =	sld [smem:$0x3FBA]  }
0x3d: {  	_ =	shalt  }
0x3e: {  	_ =	shalt  }
0x3f: {  	_ =	shalt  }
0x40: {  	_ =	shalt  }
0x41: {  	_ =	shalt  }
0x42: {  	_ =	shalt  }
0x43: {  	_ =	shalt  }
0x44: {  	_ =	shalt  }
0x45: {  	_ =	shalt  }
0x46: {  	_ =	shalt  }
0x47: {  	_ =	shalt  }
0x48: {  	_ =	shalt  }
0x49: {  	_ =	shalt  }
0x4a: {  	_ =	shalt  }
0x4b: {  	_ =	shalt  }
0x4c: {  	_ =	shalt  }
0x4d: {  	_ =	shalt  }
0x4e: {  	_ =	shalt  }
0x4f: {  	_ =	shalt  }
0x50: {  	_ =	shalt  }
0x51: {  	_ =	shalt  }
0x52: {  	_ =	shalt  }
0x53: {  	_ =	shalt  }
0x54: {  	_ =	shalt  }
0x55: {  	_ =	shalt  }
0x56: {  	_ =	shalt  }
0x57: {  	_ =	shalt  }
0x58: {  	_ =	shalt  }
0x59: {  	_ =	shalt  }
0x5a: {  	_ =	shalt  }
0x5b: {  	_ =	shalt  }
0x5c: {  	_ =	shalt  }
0x5d: {  	_ =	shalt  }
0x5e: {  	_ =	shalt  }
0x5f: {  	_ =	shalt  }
0x60: {  	_ =	shalt  }
0x61: {  	_ =	shalt  }
0x62: {  	_ =	shalt  }
0x63: {  	_ =	shalt  }
0x64: {  	_ =	shalt  }
0x65: {  	_ =	shalt  }
0x66: {  	_ =	shalt  }
0x67: {  	_ =	shalt  }
0x68: {  	_ =	shalt  }
0x69: {  	_ =	shalt  }
0x6a: {  	_ =	shalt  }
0x6b: {  	_ =	shalt  }
0x6c: {  	_ =	shalt  }
0x6d: {  	_ =	shalt  }
0x6e: {  	_ =	shalt  }
0x6f: {  	_ =	shalt  }
0x70: {  	_ =	shalt  }
0x71: {  	_ =	shalt  }
0x72: {  	_ =	shalt  }
0x73: {  	_ =	shalt  }
0x74: {  	_ =	shalt  }
0x75: {  	_ =	shalt  }
0x76: {  	_ =	shalt  }
0x77: {  	_ =	shalt  }
0x78: {  	_ =	shalt  }
0x79: {  	_ =	shalt  }
0x7a: {  	_ =	shalt  }
0x7b: {  	_ =	shalt  }
0x7c: {  	_ =	shalt  }
0x7d: {  	_ =	shalt  }
0x7e: {  	_ =	shalt  }
0x7f: {  	_ =	shalt  }
0x80: {  	_ =	shalt  }
0x81: {  	_ =	shalt  }
0x82: {  	_ =	shalt  }
0x83: {  	_ =	shalt  }
0x84: {  	_ =	shalt  }
0x85: {  	_ =	shalt  }
0x86: {  	_ =	shalt  }
0x87: {  	_ =	shalt  }
.Lfunc_end0:
.L_simem_size_0:
called_computation_lowered:
.L_overlay_start_0:
0x88: {  	s2 =	sld [smem:$0x3FD9]  }
0x89: {  	s3 =	sld [smem:$0x3FFE];
	_ =	sdelay $0x1  }
0x8a: {  	s1 =	srdreg.scid  }
0x8b: {  	s0 =	sand.u32 $0x1, s1  }
0x8c: {  	s14 =	sshll.u32 s0, $0xA;
	s2 =	sadd.s32 s3, s2  }
0x8d: {  	s2 =	sadd.s32 s2, s14  }
0x8e: {  	[smem:$0x3FC6] =	sst s2  }
0x8f: {  	_ = 	snop  }
0x90: {  	s2 =	sld [smem:$0x3FD0];
	_ =	sdelay $0x2  }
0x91: {  	s15 =	simm.s32 $0xA;
	s4 =	simm.s32 $0x10  }
0x92: {  	[smem:s4], [sflag:s15] =	dma.local [hbm:s2], $0x1  }
0x93: {  	_ =	swait.eq [sflag:s15], $0x1  }
0x94: {  	[sflag:s15] =	ssyncset.done $0x0  }
0x95: {  	[sflag:s15] =	ssyncadd.s32 $0xFFFFFFFF  }
0x96: {  	s16 =	sld [smem:$0x11];
	(tm) =	ssettm $0x1  }
0x97: {  	s17 =	sld [smem:$0x3FFB];
	_ =	sdelay $0x3  }
0x98: {  	_ =	strace s17  }
0x99: {  	s3 =	sld [smem:$0x3FFC];
	_ =	sdelay $0x3  }
0x9a: {  	_ =	strace s3  }
0x9b: {  	s3 =	sld [smem:$0x3FFD];
	_ =	sdelay $0x3  }
0x9c: {  	_ =	strace s3  }
0x9d: {  	_ =	strace $0x8FFFFFFF  }
0x9e: {  	s18 =	sld [smem:$0x3FDB];
	_ =	sdelay $0x1  }
0x9f: {  	s19 =	simm.s32 $_scs_section_size  }
0xa0: {  	s5 =	simm.s32 $_size__tile_overlayer_lowered;
	s6 =	simm.s32 $_tile_overlayer_lowered  }
0xa1: {  	s22 =	simm.s32 $0x1BFF;
	s21 =	sshll.u32 s6, $0x1;
	s3 =	sadd.s32 s19, s18  }
0xa2: {  	s7 =	simm.s32 $0x0;
	s20 =	sshll.u32 s5, $0x1;
	s5 =	sadd.s32 s21, s3  }
0xa3: {  	[timem:s7], [sflag:s22] =	dma.local [hbm:s5], s20  }
0xa4: {  	_ =	swait.ge [sflag:s22], s20  }
0xa5: {  	s4 =	ssub.s32 $0x0, s20;
	[sflag:s22] =	ssyncset.done $0x0  }
0xa6: {  	[sflag:s22] =	ssyncadd.s32 s4;
	_ =	sdelay $0x1  }
0xa7: {  	s23 =	simm.s32 $0x1B8B  }
0xa8: {  	_ =	swait.ge [sflag:s23], $0x1  }
0xa9: {  	[sflag:s23] =	ssyncset.done $0x0  }
0xaa: {  	s25 =	simm.s32 $0x1B8E;
	s24 =	sld [smem:$0x3FFE];
	[sflag:s23] =	ssyncadd.s32 $0xFFFFFFFF  }
0xab: {  	s26 =	simm.s32 $execute0_lowered;
	[smem:$0x3FD2] =	sst s25  }
0xac: {  	s5 =	sshll.u32 s26, $0x1;
	_ =	strace $0x80000046;
	[dreg:$0x1] =	wrdreg $0xFFFFFFFF  }
0xad: {  	s28 =	simm.s32 $_size_execute0_lowered;
	s3 =	sadd.s32 s3, s5;
	[dreg:$0x0] =	wrdreg $0x0  }
0xae: {  	s5 =	sshll.u32 s28, $0x1;
	[dreg:$0x2] =	wrdreg s3  }
0xaf: {  	[dreg:$0x3] =	wrdreg s5  }
0xb0: {  	[dreg:$0x4] =	wrdreg $0xC0  }
0xb1: {  	_ =	task [dreg:s7], $0x5FFFF  }
0xb2: {  	[dreg:$0x1] =	wrdreg $0xFFFFFFFF  }
0xb3: {  	[dreg:$0x0] =	wrdreg $0x60  }
0xb4: {  	[dreg:$0x2] =	wrdreg s16  }
0xb5: {  	[dreg:$0x3] =	wrdreg s24  }
0xb6: {  	[dreg:$0x4] =	wrdreg $0x9  }
0xb7: {  	_ =	task.clear_ibuf [dreg:s7], $0x5FFFF;
	_ =	strace $0x90000046  }
0xb8: {  	s29 =	simm.s32 $0x9;
	_ =	strace $0x80000048  }
0xb9: {  	_ =	swait.ge [sflag:s29], $0x1  }
0xba: {  	[sflag:s29] =	ssyncadd.s32 $0xFFFFFFFF  }
0xbb: {  	_ =	strace $0x90000048  }
0xbc: {  	_ =	sfence  }
0xbd: {  	s30 =	sld [smem:$0x0];
	_ =	sdelay $0x2  }
0xbe: {  	s31 =	sshll.u32 s1, $0xD;
	s1 =	sshrl.u32 s1, $0x2  }
0xbf: {  	s3 =	sand.u32 $0x4000, s31;
	s1 =	sadd.s32 s1, s30  }
0xc0: {  	s0 =	sor.u32 s3, s0;
	s1 =	sshll.u32 s1, $0x11  }
0xc1: {  	s0 =	sor.u32 s1, s0  }
0xc2: {  	s0 =	sadd.s32 $0x8F2B, s0  }
0xc3: {  	[sflag:s0] =	ssyncadd.remote.s32 $0x1  }
0xc4: {  	_ =	sfence.sel $0xFFFF  }
0xc5: {  	[dreg:$0x0] =	wrdreg $0xFFFFFFFF;
	(pc) =	sbr.abs _section_cstart, $3  }
0xc6: {  	[dreg:$0x1] =	wrdreg $0xFFFFFFFF  }
0xc7: {  	_ =	task.clear_ibuf [dreg:s7], $0x2FFFF;
	_ =	strace $0x9FFFFFFF  }
0xc8: {  	(tm) =	ssettm $0x7FFFFFFF  }
0xc9: {  	_ =	shalt  }
tec
execute0_lowered:
.L_overlay_start_1:
0x0: {  	(tag) =	ssettag $0x1  }
0x1: {  	s2 =	rddreg [dreg:$0x0]  }
0x2: {  	s1 =	srdreg.scid;
	s0 =	stileid.u32  }
0x3: {  	s10 =	rddreg [dreg:$0x1];
	s11 =	sand.u32 $0x1, s1;
	s4 =	sshll.u32 s0, $0x1  }
0x4: {  	s3 =	simm.s32 $0x0;
	s1 =	rddreg [dreg:$0x2];
	s12 =	sor.u32 s11, s4  }
0x5: {  	[smem:$0x7FF] =	sst s3;
	s4 =	sshll.u32 s12, $0x5  }
0x6: {  	_ =	strace $0x80000047;
	s5 =	sadd.s32 s10, s4;
	s4 =	simm.s32 $0x2  }
0x7: {  	[tilespmem:s3], [sflag:$0x2] =	stream.linear.gather [hbm4b:s5+s3], $0x100, $0x38;
	[tilespmem:$0x2100] =	vst v63  }
0x8: {  	_ =	swait.ge [sflag:s4], $0x100  }
0x9: {  	[sflag:s4] =	ssyncset.done $0x0  }
0xa: {  	s6 =	simm.s32 $0x80;
	s7 =	simm.s32 $0x100;
	[sflag:s4] =	ssyncadd.s32 $0xFFFFFF00  }
0xb: {  	[tilespmem:s7], [sflag:$0x1] =	stream.indirect.gather [hbm4b:s2+s6], $0x20, s3, s6, $0xb8;
	[tilespmem:$0x2100] =	vst v63  }
0xc: {  	s8 =	simm.s32 $0x1100;
	s9 =	simm.s32 $0x1;
	s11 =	ssub.s32 $0x2, s11  }
0xd: {  	[tilespmem:s8], [sflag:$0x1] =	stream.indirect.gather [hbm4b:s2+s6], $0x20, s6, s6, $0xb8;
	[tilespmem:$0x2100] =	vst v63  }
0xe: {  	s13 =	sshrl.u32 s11, $0x1;
	_ =	swait.ge [sflag:s9], $0x1000  }
0xf: {  	s11 =	ssub.s32 s11, s13;
	[sflag:s9] =	ssyncset.done $0x0  }
0x10: {  	s11 =	smax.u32 s11, $0x1;
	[sflag:s9] =	ssyncadd.s32 $0xFFFFF000  }
0x11: {  	s12 =	sshll.u32 s12, $0xA;
	p0 =	sne.s32 s11, $0x1;
	_ =	swait.ge [sflag:s9], $0x1000  }
.Ltmp0:
0x12: {  	s10 =	sadd.s32 s12, s10;
	[sflag:s9] =	ssyncset.done $0x0;
	(pc) =	sbr.rel @!p0 .LBB2_2-.Ltmp0, $4  }
0x13: {  	s10 =	sadd.s32 $0x400, s10;
	[sflag:s9] =	ssyncadd.s32 $0xFFFFF000  }
0x14: {  	[hbm4b:s10+s3] =	stream.linear.scatter [tilespmem:s7], [sflag:$0x2], $0x2000, $0x38;
	[tilespmem:$0x2100] =	vst v63  }
0x15: {  	_ =	swait.ge [sflag:s4], $0x2000  }
0x16: {  	s11 =	sadd.s32 $0xFFFFFFFF, s11;
	[sflag:s4] =	ssyncset.done $0x0  }
.LBB2_1:
0x17: {  	p0 =	sne.s32 s11, $0x1;
	s11 =	sadd.s32 $0xFFFFFFFF, s11;
	[sflag:s4] =	ssyncadd.s32 $0xFFFFE000  }
0x18: {  	[tilespmem:s3], [sflag:$0x2] =	stream.linear.gather [hbm4b:s5+s3], $0x100, $0x38;
	[tilespmem:$0x2100] =	vst v63  }
0x19: {  	_ =	swait.ge [sflag:s4], $0x100  }
0x1a: {  	[sflag:s4] =	ssyncset.done $0x0  }
0x1b: {  	[sflag:s4] =	ssyncadd.s32 $0xFFFFFF00  }
0x1c: {  	[tilespmem:s7], [sflag:$0x1] =	stream.indirect.gather [hbm4b:s2+s6], $0x20, s3, s6, $0xb8;
	[tilespmem:$0x2100] =	vst v63  }
0x1d: {  	_ = 	snop  }
0x1e: {  	[tilespmem:s8], [sflag:$0x1] =	stream.indirect.gather [hbm4b:s2+s6], $0x20, s6, s6, $0xb8;
	[tilespmem:$0x2100] =	vst v63  }
0x1f: {  	_ =	swait.ge [sflag:s9], $0x1000  }
0x20: {  	[sflag:s9] =	ssyncset.done $0x0  }
0x21: {  	[sflag:s9] =	ssyncadd.s32 $0xFFFFF000  }
0x22: {  	_ =	swait.ge [sflag:s9], $0x1000  }
.Ltmp1:
0x23: {  	[sflag:s9] =	ssyncset.done $0x0;
	(pc) =	sbr.rel @p0 .LBB2_1-.Ltmp1, $4  }
0x24: {  	[sflag:s9] =	ssyncadd.s32 $0xFFFFF000  }
0x25: {  	[hbm4b:s10+s3] =	stream.linear.scatter [tilespmem:s7], [sflag:$0x2], $0x2000, $0x38;
	[tilespmem:$0x2100] =	vst v63  }
0x26: {  	_ =	swait.ge [sflag:s4], $0x2000  }
0x27: {  	[sflag:s4] =	ssyncset.done $0x0  }
.LBB2_2:
0x28: {  	[sflag:s4] =	ssyncadd.s32 $0xFFFFE000  }
0x29: {  	_ =	sfence.sel $0x180000  }
0x2a: {  	[bflag:$0x0] =	sbarrier.arrive $0xFFFF  }
0x2b: {  	p0 =	sne.s32 s0, $0x0;
	_ =	strace $0x90000047  }
0x2c: {  	s0 =	sadd.s32 @!p0 $0x100000, s1;
	[bflag:$0x2] =	sbarrier.arrive $0xFFFF  }
0x2d: {  	[sflag:s0] =	ssyncadd.tile.s32 @!p0 $0x1;
	_ =	shalt  }
.Lfunc_end2:
_tile_overlayer_lowered:
.L_overlay_start_2:
0x2e: {  	(tag) =	ssettag $0x2  }
0x2f: {  	s0 =	rddreg [dreg:$0x0];
	s2 =	stileid.u32  }
0x30: {  	s1 =	rddreg [dreg:$0x1];
	p0 =	sne.s32 s2, $0x0  }
0x31: {  	s3 =	rddreg [dreg:$0x2];
	[bflag:$0x3] =	sbarrier.arrive $0xFFFF;
	s2 =	simm.s32 @!p0 $0x1C02  }
0x32: {  	[timem:s3], [sflag:s2] =	dma.local @!p0 [hbm:s0], s1  }
0x33: {  	s0 =	simm.s32 @!p0 $0x2  }
0x34: {  	_ =	swait.ge @!p0 [sflag:s0], s1  }
0x35: {  	s1 =	ssub.s32 @!p0 $0x0, s1;
	[sflag:s0] =	ssyncset.done @!p0 $0x0  }
0x36: {  	[sflag:s0] =	ssyncadd.s32 @!p0 s1  }
0x37: {  	[bflag:$0x3] =	sbarrier.arrive $0xFFFF  }
0x38: {  	_ =	shalt  }

</sc_bundles>
